<compile_context>
chip_gen: v7x
topology: tpu7x:2x2x1
jax: 0.10.2.dev20260603
libtpu: 0.0.44.dev20260713+nightly
codegen_flags: <defaults>
</compile_context>

<pallas_src>
import functools

import jax
import jax.numpy as jnp
from jax import lax
from jax.experimental import pallas as pl
from jax.experimental.pallas import tpu as pltpu
from jax.experimental.pallas import tpu_sc as plsc

_N = 10000
_E = 320000
_IN_C = 128
_HID = 128
_OUT_C = 64

_NC = 2
_NS = 16
_NW = _NC * _NS
_EPT = _E // _NS
_CHUNK = 80
_NROUND = 2
_NCHUNK = _EPT // _CHUNK // _NROUND
_HALF = _N // _NC
_ACC = 5248
_TRASH = 5240
_RPT = _ACC // _NS
_ZROWS = 41


def _sc_body(x_hbm, src_hbm, dst_hbm, agg_hbm, degp_hbm,
             src_v, dst_v, rows_v, rows2_v, deg_v, zbuf_v, agg_sh, sem, sem2):
    cid = lax.axis_index("c")
    sid = lax.axis_index("s")
    wid = sid * _NC + cid

    zero16 = jnp.zeros((16,), jnp.float32)

    @pl.loop(0, _ACC // 16)
    def _(k):
        deg_v[pl.ds(k * 16, 16)] = zero16

    @pl.loop(0, _ZROWS * _IN_C // 16)
    def _(k):
        zbuf_v[k // 8, pl.ds((k % 8) * 16, 16)] = zero16

    for t in range(_RPT // _ZROWS):
        pltpu.sync_copy(zbuf_v, agg_sh.at[pl.ds(sid * _RPT + t * _ZROWS, _ZROWS)])
    plsc.subcore_barrier()

    ones16 = jnp.ones((16,), jnp.float32)
    base = cid * _HALF

    for rnd in range(_NROUND):
        pltpu.sync_copy(src_hbm.at[sid, rnd], src_v)
        pltpu.sync_copy(dst_hbm.at[sid, rnd], dst_v)

        @pl.loop(0, _NCHUNK * _CHUNK // 16)
        def _(k):
            r = k // (_CHUNK // 16)
            j = k % (_CHUNK // 16)
            d = dst_v[r, pl.ds(j * 16, 16)]
            dl = d - base
            valid = (dl >= 0) & (dl < _HALF)
            dmap = jnp.where(valid, dl, _TRASH)
            dst_v[r, pl.ds(j * 16, 16)] = dmap
            plsc.addupdate_scatter(deg_v, [dmap], ones16)

        pltpu.async_copy(x_hbm.at[src_v.at[0]], rows_v, sem)

        @pl.loop(0, _NCHUNK // 2)
        def _(p):
            c0 = 2 * p
            pltpu.async_copy(x_hbm.at[src_v.at[c0 + 1]], rows2_v, sem2)
            pltpu.make_async_copy(x_hbm.at[pl.ds(0, _CHUNK)], rows_v, sem).wait()
            pltpu.sync_copy(rows_v, agg_sh.at[dst_v.at[c0]], add=True)

            @pl.when(c0 + 2 < _NCHUNK)
            def _():
                pltpu.async_copy(x_hbm.at[src_v.at[c0 + 2]], rows_v, sem)

            pltpu.make_async_copy(x_hbm.at[pl.ds(0, _CHUNK)], rows2_v, sem2).wait()
            pltpu.sync_copy(rows2_v, agg_sh.at[dst_v.at[c0 + 1]], add=True)

    plsc.subcore_barrier()

    pltpu.sync_copy(agg_sh.at[pl.ds(sid * _RPT, _RPT)],
                    agg_hbm.at[cid, pl.ds(sid * _RPT, _RPT)])
    pltpu.sync_copy(deg_v, degp_hbm.at[pl.ds(wid * _ACC, _ACC)])


_sc_agg = functools.partial(
    pl.kernel,
    out_type=(
        jax.ShapeDtypeStruct((_NC, _ACC, _IN_C), jnp.float32),
        jax.ShapeDtypeStruct((_NW * _ACC,), jnp.float32),
    ),
    mesh=plsc.VectorSubcoreMesh(core_axis_name="c", subcore_axis_name="s",
                                num_cores=_NC, num_subcores=_NS),
    scratch_types=[
        pltpu.VMEM((_NCHUNK, _CHUNK), jnp.int32),
        pltpu.VMEM((_NCHUNK, _CHUNK), jnp.int32),
        pltpu.VMEM((_CHUNK, _IN_C), jnp.float32),
        pltpu.VMEM((_CHUNK, _IN_C), jnp.float32),
        pltpu.VMEM((_ACC,), jnp.float32),
        pltpu.VMEM((_ZROWS, _IN_C), jnp.float32),
        pltpu.VMEM_SHARED((_ACC, _IN_C), jnp.float32),
        pltpu.SemaphoreType.DMA,
        pltpu.SemaphoreType.DMA,
    ],
    compiler_params=pltpu.CompilerParams(needs_layout_passes=False),
)(_sc_body)


def _tc_body(x_ref, agg_ref, degt_ref, wl_ref, bl_ref, wr_ref,
             wfc1_ref, bfc1_ref, wout_ref, bout_ref, out_ref):
    deg = jnp.sum(degt_ref[0], axis=1)
    mean = agg_ref[0] / jnp.maximum(deg, 1.0)[:, None]
    h = (jnp.dot(mean, wl_ref[...], preferred_element_type=jnp.float32)
         + bl_ref[...]
         + jnp.dot(x_ref[...], wr_ref[...], preferred_element_type=jnp.float32))
    h = jnp.maximum(h, 0.0)
    h = jnp.maximum(
        jnp.dot(h, wfc1_ref[...], preferred_element_type=jnp.float32)
        + bfc1_ref[...], 0.0)
    logits = (jnp.dot(h, wout_ref[...], preferred_element_type=jnp.float32)
              + bout_ref[...])
    m = jnp.max(logits, axis=1, keepdims=True)
    s = jnp.sum(jnp.exp(logits - m), axis=1, keepdims=True)
    out_ref[...] = logits - m - jnp.log(s)


_ROWS_BLK = 1000
_BLK_PER_HALF = _HALF // _ROWS_BLK


def _tc_head(x, agg2, degt, wl_t, bl, wr_t, wfc1_t, bfc1, wout_t, bout):
    grid = (_N // _ROWS_BLK,)
    full = lambda i: (0, 0)
    return pl.pallas_call(
        _tc_body,
        grid=grid,
        in_specs=[
            pl.BlockSpec((_ROWS_BLK, _IN_C), lambda i: (i, 0)),
            pl.BlockSpec((1, _ROWS_BLK, _IN_C),
                         lambda i: (i // _BLK_PER_HALF, i % _BLK_PER_HALF, 0)),
            pl.BlockSpec((1, _ROWS_BLK, _NS),
                         lambda i: (i // _BLK_PER_HALF, i % _BLK_PER_HALF, 0)),
            pl.BlockSpec((_IN_C, _HID), full),
            pl.BlockSpec((1, _HID), full),
            pl.BlockSpec((_IN_C, _HID), full),
            pl.BlockSpec((_HID, _HID), full),
            pl.BlockSpec((1, _HID), full),
            pl.BlockSpec((_HID, _OUT_C), full),
            pl.BlockSpec((1, _OUT_C), full),
        ],
        out_specs=pl.BlockSpec((_ROWS_BLK, _OUT_C), lambda i: (i, 0)),
        out_shape=jax.ShapeDtypeStruct((_N, _OUT_C), jnp.float32),
    )(x, agg2, degt, wl_t, bl, wr_t, wfc1_t, bfc1, wout_t, bout)


def kernel(x, edge_index, W_l, b_l, W_r, W_fc1, b_fc1, W_out, b_out):
    src = edge_index[0].reshape(_NS, _NROUND, _NCHUNK, _CHUNK)
    dst = edge_index[1].reshape(_NS, _NROUND, _NCHUNK, _CHUNK)
    agg2, degp = _sc_agg(x, src, dst)
    degt = degp.reshape(_NS, _NC, _ACC).transpose(1, 2, 0)
    return _tc_head(x, agg2, degt,
                    W_l.T, b_l.reshape(1, _HID),
                    W_r.T, W_fc1.T, b_fc1.reshape(1, _HID),
                    W_out.T, b_out.reshape(1, _OUT_C))

# --- scband reference (transcript-rebuilt; emitter-appended) ---
"""Pipeline reference for scband-bayesian-gnn-77618648973531 (READ-ONLY COPY).

The authoritative reference and input builder live on the scoring server;
editing this copy changes nothing except your own understanding.
"""

import jax, jax.numpy as jnp
import numpy as np

N = 10000
E = 320000
IN_C = 128
HID = 128
OUT_C = 64


def setup_inputs(seed: int = 0) -> dict:
    key = jax.random.key(seed)
    ks = jax.random.split(key, 10)
    x = jax.random.normal(ks[0], (N, IN_C), dtype=jnp.float32)
    edge_index = jax.random.randint(ks[1], (2, E), 0, N, dtype=jnp.int32)
    s_in = 1.0 / np.sqrt(IN_C)
    s_h = 1.0 / np.sqrt(HID)
    W_l = jax.random.uniform(ks[2], (HID, IN_C), dtype=jnp.float32, minval=-s_in, maxval=s_in)
    b_l = jax.random.uniform(ks[3], (HID,), dtype=jnp.float32, minval=-s_in, maxval=s_in)
    W_r = jax.random.uniform(ks[4], (HID, IN_C), dtype=jnp.float32, minval=-s_in, maxval=s_in)
    W_fc1 = jax.random.uniform(ks[5], (HID, HID), dtype=jnp.float32, minval=-s_h, maxval=s_h)
    b_fc1 = jax.random.uniform(ks[6], (HID,), dtype=jnp.float32, minval=-s_h, maxval=s_h)
    W_out = jax.random.uniform(ks[7], (OUT_C, HID), dtype=jnp.float32, minval=-s_h, maxval=s_h)
    b_out = jax.random.uniform(ks[8], (OUT_C,), dtype=jnp.float32, minval=-s_h, maxval=s_h)
    return {"x": x, "edge_index": edge_index, "W_l": W_l, "b_l": b_l, "W_r": W_r,
            "W_fc1": W_fc1, "b_fc1": b_fc1, "W_out": W_out, "b_out": b_out}


def reference(x, edge_index, W_l, b_l, W_r, W_fc1, b_fc1, W_out, b_out):
    # SAGEConv with mean aggregation: out = lin_l(mean_{j in N(i)} x_j) + lin_r(x_i)
    src = edge_index[0]
    dst = edge_index[1]
    msgs = jnp.take(x, src, axis=0)                     # gather: [E, IN_C]
    agg = jax.ops.segment_sum(msgs, dst, num_segments=N)  # scatter-add
    deg = jax.ops.segment_sum(jnp.ones((E,), dtype=x.dtype), dst, num_segments=N)
    mean = agg / jnp.clip(deg, 1.0)[:, None]
    h = mean @ W_l.T + b_l + x @ W_r.T                  # SAGEConv (bias on lin_l)
    h = jax.nn.relu(h)
    h = jax.nn.relu(h @ W_fc1.T + b_fc1)                # fc1
    logits = h @ W_out.T + b_out                        # out
    return jax.nn.log_softmax(logits, axis=1)

if __name__ == "__main__":
    import jax
    _d = setup_inputs()
    print(jax.jit(kernel)(*tuple(_d.values())))

</pallas_src>

<mosaic_0001>
#map = affine_map<(d0, d1) -> (0, 0)>
#map1 = affine_map<(d0, d1) -> (0, 0, 0, 0)>
#map2 = affine_map<(d0, d1) -> (0, 0, 0)>
#map3 = affine_map<(d0, d1) -> (0)>
module attributes {stable_mosaic.version = 14 : i64} {
  func.func @_sc_body(%arg0: i32, %arg1: i32, %arg2: memref<10000x128xf32, #tpu.memory_space<hbm>>, %arg3: memref<16x2x125x80xi32, #tpu.memory_space<hbm>>, %arg4: memref<16x2x125x80xi32, #tpu.memory_space<hbm>>, %arg5: memref<2x5248x128xf32, #tpu.memory_space<hbm>>, %arg6: memref<167936xf32, #tpu.memory_space<hbm>>, %arg7: memref<125x80xi32, #tpu.memory_space<vmem>>, %arg8: memref<125x80xi32, #tpu.memory_space<vmem>>, %arg9: memref<80x128xf32, #tpu.memory_space<vmem>>, %arg10: memref<80x128xf32, #tpu.memory_space<vmem>>, %arg11: memref<5248xf32, #tpu.memory_space<vmem>>, %arg12: memref<41x128xf32, #tpu.memory_space<vmem>>, %arg13: memref<5248x128xf32, #tpu.memory_space<vmem_shared>>, %arg14: memref<!tpu.dma_semaphore, #tpu.memory_space<semaphore_mem>>, %arg15: memref<!tpu.dma_semaphore, #tpu.memory_space<semaphore_mem>>) attributes {dimension_semantics = [#tpu.dimension_semantics<core_parallel>, #tpu.dimension_semantics<subcore_parallel>], iteration_bounds = array<i64: 2, 16>, scalar_prefetch = 0 : i64, scratch_operands = 9 : i64, tpu.core_type = #tpu.core_type<sc_vector_subcore>, window_params = [{transform_indices = #map}, {transform_indices = #map1}, {transform_indices = #map1}, {transform_indices = #map2}, {transform_indices = #map3}]} {
    %mul3A = arith.constant 2 : i32
    %mul3A_0 = arith.muli %arg1, %mul3A : i32
    %add3A = arith.addi %mul3A_0, %arg0 : i32
    %broadcast_in_dim3A = arith.constant 0.000000e+00 : f32
    %broadcast_in_dim3A_1 = vector.broadcast %broadcast_in_dim3A : f32 to vector<16xf32>
    %scan3A = arith.constant 0 : i32
    %scan3A_2 = arith.constant 328 : i32
    %scan3A_3 = arith.addi %scan3A, %scan3A_2 : i32
    %scan3A_4 = arith.constant 1 : i32
    scf.for %scan3A_90 = %scan3A to %scan3A_3 step %scan3A_4  : i32 {
      %mul3A_91 = arith.constant 1 : i32
      %mul3A_92 = arith.muli %scan3A_90, %mul3A_91 : i32
      %add3A_93 = arith.constant 0 : i32
      %add3A_94 = arith.addi %add3A_93, %mul3A_92 : i32
      %mul3A_95 = arith.constant 16 : i32
      %mul3A_96 = arith.muli %add3A_94, %mul3A_95 : i32
      %swap3A = arith.index_cast %mul3A_96 : i32 to index
      %swap3A_97 = tpu.vector_load %arg11[%swap3A] {strides = array<i32>} : memref<5248xf32, #tpu.memory_space<vmem>>, vector<16xf32>,
      tpu.vector_store %arg11[%swap3A], %broadcast_in_dim3A_1 {strides = array<i32>} : memref<5248xf32, #tpu.memory_space<vmem>>, vector<16xf32>,
    }
    %scan3A_5 = arith.constant 328 : i32
    %scan3A_6 = arith.constant 0 : i32
    %scan3A_7 = arith.constant 328 : i32
    %scan3A_8 = arith.addi %scan3A_6, %scan3A_7 : i32
    %scan3A_9 = arith.constant 1 : i32
    scf.for %scan3A_90 = %scan3A_6 to %scan3A_8 step %scan3A_9  : i32 {
      %mul3A_91 = arith.constant 1 : i32
      %mul3A_92 = arith.muli %scan3A_90, %mul3A_91 : i32
      %add3A_93 = arith.constant 0 : i32
      %add3A_94 = arith.addi %add3A_93, %mul3A_92 : i32
      %jit3A = arith.constant 8 : i32
      %div3A = arith.divsi %add3A_94, %jit3A : i32
      %sign3A = arith.constant 0 : i32
      %sign3A_95 = arith.cmpi sgt, %add3A_94, %sign3A : i32
      %sign3A_96 = arith.extui %sign3A_95 : i1 to i32
      %sign3A_97 = arith.constant 0 : i32
      %sign3A_98 = arith.cmpi slt, %add3A_94, %sign3A_97 : i32
      %sign3A_99 = arith.extui %sign3A_98 : i1 to i32
      %sign3A_100 = arith.subi %sign3A_96, %sign3A_99 : i32
      %sign3A_101 = arith.constant 0 : i32
      %sign3A_102 = arith.cmpi sgt, %jit3A, %sign3A_101 : i32
      %sign3A_103 = arith.extui %sign3A_102 : i1 to i32
      %sign3A_104 = arith.constant 0 : i32
      %sign3A_105 = arith.cmpi slt, %jit3A, %sign3A_104 : i32
      %sign3A_106 = arith.extui %sign3A_105 : i1 to i32
      %sign3A_107 = arith.subi %sign3A_103, %sign3A_106 : i32
      %ne3A = arith.cmpi ne, %sign3A_100, %sign3A_107 : i32
      %rem3A = arith.remsi %add3A_94, %jit3A : i32
      %ne3A_108 = arith.constant 0 : i32
      %ne3A_109 = arith.cmpi ne, %rem3A, %ne3A_108 : i32
      %and3A = arith.andi %ne3A, %ne3A_109 : i1
      %sub3A = arith.constant 1 : i32
      %sub3A_110 = arith.subi %div3A, %sub3A : i32
      %select_n3A = arith.select %and3A, %sub3A_110, %div3A : i32
      %jit3A_111 = arith.constant 8 : i32
      %eq3A = arith.constant 0 : i32
      %eq3A_112 = arith.cmpi eq, %jit3A_111, %eq3A : i32
      %jit3A_113 = arith.constant 1 : i32
      %select_n3A_114 = arith.select %eq3A_112, %jit3A_113, %jit3A_111 : i32
      %rem3A_115 = arith.remsi %add3A_94, %select_n3A_114 : i32
      %ne3A_116 = arith.constant 0 : i32
      %ne3A_117 = arith.cmpi ne, %rem3A_115, %ne3A_116 : i32
      %lt3A = arith.constant 0 : i32
      %lt3A_118 = arith.cmpi slt, %rem3A_115, %lt3A : i32
      %lt3A_119 = arith.constant 0 : i32
      %lt3A_120 = arith.cmpi slt, %select_n3A_114, %lt3A_119 : i32
      %ne3A_121 = arith.xori %lt3A_118, %lt3A_120 : i1
      %and3A_122 = arith.andi %ne3A_121, %ne3A_117 : i1
      %add3A_123 = arith.addi %rem3A_115, %select_n3A_114 : i32
      %select_n3A_124 = arith.select %and3A_122, %add3A_123, %rem3A_115 : i32
      %mul3A_125 = arith.constant 16 : i32
      %mul3A_126 = arith.muli %select_n3A_124, %mul3A_125 : i32
      %swap3A = arith.index_cast %select_n3A : i32 to index
      %swap3A_127 = arith.index_cast %mul3A_126 : i32 to index
      %swap3A_128 = tpu.vector_load %arg12[%swap3A, %swap3A_127] {strides = array<i32>} : memref<41x128xf32, #tpu.memory_space<vmem>>, vector<16xf32>,
      tpu.vector_store %arg12[%swap3A, %swap3A_127], %broadcast_in_dim3A_1 {strides = array<i32>} : memref<41x128xf32, #tpu.memory_space<vmem>>, vector<16xf32>,
    }
    %scan3A_10 = arith.constant 328 : i32
    %mul3A_11 = arith.constant 328 : i32
    %mul3A_12 = arith.muli %arg1, %mul3A_11 : i32
    %add3A_13 = arith.constant 0 : i32
    %add3A_14 = arith.addi %mul3A_12, %add3A_13 : i32
    "tpu.region"() ({
      %run_scoped3A_90 = tpu.sem_alloc : memref<!tpu.dma_semaphore, #tpu.memory_space<semaphore_mem>>
      %dma_start3A_91 = arith.constant 0 : i32
      %dma_start3A_92 = tpu.memref_slice %arg13[%add3A_14, %dma_start3A_91] : memref<5248x128xf32, #tpu.memory_space<vmem_shared>> -> memref<41x128xf32, #tpu.memory_space<vmem_shared>>
      %dma_start3A_93 = arith.constant 0 : i32
      %dma_start3A_94 = tpu.memref_slice %arg13[%add3A_14, %dma_start3A_93] : memref<5248x128xf32, #tpu.memory_space<vmem_shared>> -> memref<41x128xf32, #tpu.memory_space<vmem_shared>>
      tpu.enqueue_dma source(%arg12 : memref<41x128xf32, #tpu.memory_space<vmem>>) target(%dma_start3A_94 : memref<41x128xf32, #tpu.memory_space<vmem_shared>>) target_semaphore(%run_scoped3A_90 : memref<!tpu.dma_semaphore, #tpu.memory_space<semaphore_mem>>)
      %dma_wait3A = arith.constant 0 : i32
      %dma_wait3A_95 = tpu.memref_slice %arg13[%add3A_14, %dma_wait3A] : memref<5248x128xf32, #tpu.memory_space<vmem_shared>> -> memref<41x128xf32, #tpu.memory_space<vmem_shared>>
      %dma_wait3A_96 = arith.constant 0 : i32
      %dma_wait3A_97 = tpu.memref_slice %arg13[%add3A_14, %dma_wait3A_96] : memref<5248x128xf32, #tpu.memory_space<vmem_shared>> -> memref<41x128xf32, #tpu.memory_space<vmem_shared>>
      tpu.wait_dma2 semaphore(%run_scoped3A_90 : memref<!tpu.dma_semaphore, #tpu.memory_space<semaphore_mem>>) src(%arg12 : memref<41x128xf32, #tpu.memory_space<vmem>>) dst(%dma_wait3A_97 : memref<41x128xf32, #tpu.memory_space<vmem_shared>>)
      tpu.yield
    }) : () -> ()
    %mul3A_15 = arith.constant 328 : i32
    %mul3A_16 = arith.muli %arg1, %mul3A_15 : i32
    %add3A_17 = arith.constant 41 : i32
    %add3A_18 = arith.addi %mul3A_16, %add3A_17 : i32
    "tpu.region"() ({
      %run_scoped3A_90 = tpu.sem_alloc : memref<!tpu.dma_semaphore, #tpu.memory_space<semaphore_mem>>
      %dma_start3A_91 = arith.constant 0 : i32
      %dma_start3A_92 = tpu.memref_slice %arg13[%add3A_18, %dma_start3A_91] : memref<5248x128xf32, #tpu.memory_space<vmem_shared>> -> memref<41x128xf32, #tpu.memory_space<vmem_shared>>
      %dma_start3A_93 = arith.constant 0 : i32
      %dma_start3A_94 = tpu.memref_slice %arg13[%add3A_18, %dma_start3A_93] : memref<5248x128xf32, #tpu.memory_space<vmem_shared>> -> memref<41x128xf32, #tpu.memory_space<vmem_shared>>
      tpu.enqueue_dma source(%arg12 : memref<41x128xf32, #tpu.memory_space<vmem>>) target(%dma_start3A_94 : memref<41x128xf32, #tpu.memory_space<vmem_shared>>) target_semaphore(%run_scoped3A_90 : memref<!tpu.dma_semaphore, #tpu.memory_space<semaphore_mem>>)
      %dma_wait3A = arith.constant 0 : i32
      %dma_wait3A_95 = tpu.memref_slice %arg13[%add3A_18, %dma_wait3A] : memref<5248x128xf32, #tpu.memory_space<vmem_shared>> -> memref<41x128xf32, #tpu.memory_space<vmem_shared>>
      %dma_wait3A_96 = arith.constant 0 : i32
      %dma_wait3A_97 = tpu.memref_slice %arg13[%add3A_18, %dma_wait3A_96] : memref<5248x128xf32, #tpu.memory_space<vmem_shared>> -> memref<41x128xf32, #tpu.memory_space<vmem_shared>>
      tpu.wait_dma2 semaphore(%run_scoped3A_90 : memref<!tpu.dma_semaphore, #tpu.memory_space<semaphore_mem>>) src(%arg12 : memref<41x128xf32, #tpu.memory_space<vmem>>) dst(%dma_wait3A_97 : memref<41x128xf32, #tpu.memory_space<vmem_shared>>)
      tpu.yield
    }) : () -> ()
    %mul3A_19 = arith.constant 328 : i32
    %mul3A_20 = arith.muli %arg1, %mul3A_19 : i32
    %add3A_21 = arith.constant 82 : i32
    %add3A_22 = arith.addi %mul3A_20, %add3A_21 : i32
    "tpu.region"() ({
      %run_scoped3A_90 = tpu.sem_alloc : memref<!tpu.dma_semaphore, #tpu.memory_space<semaphore_mem>>
      %dma_start3A_91 = arith.constant 0 : i32
      %dma_start3A_92 = tpu.memref_slice %arg13[%add3A_22, %dma_start3A_91] : memref<5248x128xf32, #tpu.memory_space<vmem_shared>> -> memref<41x128xf32, #tpu.memory_space<vmem_shared>>
      %dma_start3A_93 = arith.constant 0 : i32
      %dma_start3A_94 = tpu.memref_slice %arg13[%add3A_22, %dma_start3A_93] : memref<5248x128xf32, #tpu.memory_space<vmem_shared>> -> memref<41x128xf32, #tpu.memory_space<vmem_shared>>
      tpu.enqueue_dma source(%arg12 : memref<41x128xf32, #tpu.memory_space<vmem>>) target(%dma_start3A_94 : memref<41x128xf32, #tpu.memory_space<vmem_shared>>) target_semaphore(%run_scoped3A_90 : memref<!tpu.dma_semaphore, #tpu.memory_space<semaphore_mem>>)
      %dma_wait3A = arith.constant 0 : i32
      %dma_wait3A_95 = tpu.memref_slice %arg13[%add3A_22, %dma_wait3A] : memref<5248x128xf32, #tpu.memory_space<vmem_shared>> -> memref<41x128xf32, #tpu.memory_space<vmem_shared>>
      %dma_wait3A_96 = arith.constant 0 : i32
      %dma_wait3A_97 = tpu.memref_slice %arg13[%add3A_22, %dma_wait3A_96] : memref<5248x128xf32, #tpu.memory_space<vmem_shared>> -> memref<41x128xf32, #tpu.memory_space<vmem_shared>>
      tpu.wait_dma2 semaphore(%run_scoped3A_90 : memref<!tpu.dma_semaphore, #tpu.memory_space<semaphore_mem>>) src(%arg12 : memref<41x128xf32, #tpu.memory_space<vmem>>) dst(%dma_wait3A_97 : memref<41x128xf32, #tpu.memory_space<vmem_shared>>)
      tpu.yield
    }) : () -> ()
    %mul3A_23 = arith.constant 328 : i32
    %mul3A_24 = arith.muli %arg1, %mul3A_23 : i32
    %add3A_25 = arith.constant 123 : i32
    %add3A_26 = arith.addi %mul3A_24, %add3A_25 : i32
    "tpu.region"() ({
      %run_scoped3A_90 = tpu.sem_alloc : memref<!tpu.dma_semaphore, #tpu.memory_space<semaphore_mem>>
      %dma_start3A_91 = arith.constant 0 : i32
      %dma_start3A_92 = tpu.memref_slice %arg13[%add3A_26, %dma_start3A_91] : memref<5248x128xf32, #tpu.memory_space<vmem_shared>> -> memref<41x128xf32, #tpu.memory_space<vmem_shared>>
      %dma_start3A_93 = arith.constant 0 : i32
      %dma_start3A_94 = tpu.memref_slice %arg13[%add3A_26, %dma_start3A_93] : memref<5248x128xf32, #tpu.memory_space<vmem_shared>> -> memref<41x128xf32, #tpu.memory_space<vmem_shared>>
      tpu.enqueue_dma source(%arg12 : memref<41x128xf32, #tpu.memory_space<vmem>>) target(%dma_start3A_94 : memref<41x128xf32, #tpu.memory_space<vmem_shared>>) target_semaphore(%run_scoped3A_90 : memref<!tpu.dma_semaphore, #tpu.memory_space<semaphore_mem>>)
      %dma_wait3A = arith.constant 0 : i32
      %dma_wait3A_95 = tpu.memref_slice %arg13[%add3A_26, %dma_wait3A] : memref<5248x128xf32, #tpu.memory_space<vmem_shared>> -> memref<41x128xf32, #tpu.memory_space<vmem_shared>>
      %dma_wait3A_96 = arith.constant 0 : i32
      %dma_wait3A_97 = tpu.memref_slice %arg13[%add3A_26, %dma_wait3A_96] : memref<5248x128xf32, #tpu.memory_space<vmem_shared>> -> memref<41x128xf32, #tpu.memory_space<vmem_shared>>
      tpu.wait_dma2 semaphore(%run_scoped3A_90 : memref<!tpu.dma_semaphore, #tpu.memory_space<semaphore_mem>>) src(%arg12 : memref<41x128xf32, #tpu.memory_space<vmem>>) dst(%dma_wait3A_97 : memref<41x128xf32, #tpu.memory_space<vmem_shared>>)
      tpu.yield
    }) : () -> ()
    %mul3A_27 = arith.constant 328 : i32
    %mul3A_28 = arith.muli %arg1, %mul3A_27 : i32
    %add3A_29 = arith.constant 164 : i32
    %add3A_30 = arith.addi %mul3A_28, %add3A_29 : i32
    "tpu.region"() ({
      %run_scoped3A_90 = tpu.sem_alloc : memref<!tpu.dma_semaphore, #tpu.memory_space<semaphore_mem>>
      %dma_start3A_91 = arith.constant 0 : i32
      %dma_start3A_92 = tpu.memref_slice %arg13[%add3A_30, %dma_start3A_91] : memref<5248x128xf32, #tpu.memory_space<vmem_shared>> -> memref<41x128xf32, #tpu.memory_space<vmem_shared>>
      %dma_start3A_93 = arith.constant 0 : i32
      %dma_start3A_94 = tpu.memref_slice %arg13[%add3A_30, %dma_start3A_93] : memref<5248x128xf32, #tpu.memory_space<vmem_shared>> -> memref<41x128xf32, #tpu.memory_space<vmem_shared>>
      tpu.enqueue_dma source(%arg12 : memref<41x128xf32, #tpu.memory_space<vmem>>) target(%dma_start3A_94 : memref<41x128xf32, #tpu.memory_space<vmem_shared>>) target_semaphore(%run_scoped3A_90 : memref<!tpu.dma_semaphore, #tpu.memory_space<semaphore_mem>>)
      %dma_wait3A = arith.constant 0 : i32
      %dma_wait3A_95 = tpu.memref_slice %arg13[%add3A_30, %dma_wait3A] : memref<5248x128xf32, #tpu.memory_space<vmem_shared>> -> memref<41x128xf32, #tpu.memory_space<vmem_shared>>
      %dma_wait3A_96 = arith.constant 0 : i32
      %dma_wait3A_97 = tpu.memref_slice %arg13[%add3A_30, %dma_wait3A_96] : memref<5248x128xf32, #tpu.memory_space<vmem_shared>> -> memref<41x128xf32, #tpu.memory_space<vmem_shared>>
      tpu.wait_dma2 semaphore(%run_scoped3A_90 : memref<!tpu.dma_semaphore, #tpu.memory_space<semaphore_mem>>) src(%arg12 : memref<41x128xf32, #tpu.memory_space<vmem>>) dst(%dma_wait3A_97 : memref<41x128xf32, #tpu.memory_space<vmem_shared>>)
      tpu.yield
    }) : () -> ()
    %mul3A_31 = arith.constant 328 : i32
    %mul3A_32 = arith.muli %arg1, %mul3A_31 : i32
    %add3A_33 = arith.constant 205 : i32
    %add3A_34 = arith.addi %mul3A_32, %add3A_33 : i32
    "tpu.region"() ({
      %run_scoped3A_90 = tpu.sem_alloc : memref<!tpu.dma_semaphore, #tpu.memory_space<semaphore_mem>>
      %dma_start3A_91 = arith.constant 0 : i32
      %dma_start3A_92 = tpu.memref_slice %arg13[%add3A_34, %dma_start3A_91] : memref<5248x128xf32, #tpu.memory_space<vmem_shared>> -> memref<41x128xf32, #tpu.memory_space<vmem_shared>>
      %dma_start3A_93 = arith.constant 0 : i32
      %dma_start3A_94 = tpu.memref_slice %arg13[%add3A_34, %dma_start3A_93] : memref<5248x128xf32, #tpu.memory_space<vmem_shared>> -> memref<41x128xf32, #tpu.memory_space<vmem_shared>>
      tpu.enqueue_dma source(%arg12 : memref<41x128xf32, #tpu.memory_space<vmem>>) target(%dma_start3A_94 : memref<41x128xf32, #tpu.memory_space<vmem_shared>>) target_semaphore(%run_scoped3A_90 : memref<!tpu.dma_semaphore, #tpu.memory_space<semaphore_mem>>)
      %dma_wait3A = arith.constant 0 : i32
      %dma_wait3A_95 = tpu.memref_slice %arg13[%add3A_34, %dma_wait3A] : memref<5248x128xf32, #tpu.memory_space<vmem_shared>> -> memref<41x128xf32, #tpu.memory_space<vmem_shared>>
      %dma_wait3A_96 = arith.constant 0 : i32
      %dma_wait3A_97 = tpu.memref_slice %arg13[%add3A_34, %dma_wait3A_96] : memref<5248x128xf32, #tpu.memory_space<vmem_shared>> -> memref<41x128xf32, #tpu.memory_space<vmem_shared>>
      tpu.wait_dma2 semaphore(%run_scoped3A_90 : memref<!tpu.dma_semaphore, #tpu.memory_space<semaphore_mem>>) src(%arg12 : memref<41x128xf32, #tpu.memory_space<vmem>>) dst(%dma_wait3A_97 : memref<41x128xf32, #tpu.memory_space<vmem_shared>>)
      tpu.yield
    }) : () -> ()
    %mul3A_35 = arith.constant 328 : i32
    %mul3A_36 = arith.muli %arg1, %mul3A_35 : i32
    %add3A_37 = arith.constant 246 : i32
    %add3A_38 = arith.addi %mul3A_36, %add3A_37 : i32
    "tpu.region"() ({
      %run_scoped3A_90 = tpu.sem_alloc : memref<!tpu.dma_semaphore, #tpu.memory_space<semaphore_mem>>
      %dma_start3A_91 = arith.constant 0 : i32
      %dma_start3A_92 = tpu.memref_slice %arg13[%add3A_38, %dma_start3A_91] : memref<5248x128xf32, #tpu.memory_space<vmem_shared>> -> memref<41x128xf32, #tpu.memory_space<vmem_shared>>
      %dma_start3A_93 = arith.constant 0 : i32
      %dma_start3A_94 = tpu.memref_slice %arg13[%add3A_38, %dma_start3A_93] : memref<5248x128xf32, #tpu.memory_space<vmem_shared>> -> memref<41x128xf32, #tpu.memory_space<vmem_shared>>
      tpu.enqueue_dma source(%arg12 : memref<41x128xf32, #tpu.memory_space<vmem>>) target(%dma_start3A_94 : memref<41x128xf32, #tpu.memory_space<vmem_shared>>) target_semaphore(%run_scoped3A_90 : memref<!tpu.dma_semaphore, #tpu.memory_space<semaphore_mem>>)
      %dma_wait3A = arith.constant 0 : i32
      %dma_wait3A_95 = tpu.memref_slice %arg13[%add3A_38, %dma_wait3A] : memref<5248x128xf32, #tpu.memory_space<vmem_shared>> -> memref<41x128xf32, #tpu.memory_space<vmem_shared>>
      %dma_wait3A_96 = arith.constant 0 : i32
      %dma_wait3A_97 = tpu.memref_slice %arg13[%add3A_38, %dma_wait3A_96] : memref<5248x128xf32, #tpu.memory_space<vmem_shared>> -> memref<41x128xf32, #tpu.memory_space<vmem_shared>>
      tpu.wait_dma2 semaphore(%run_scoped3A_90 : memref<!tpu.dma_semaphore, #tpu.memory_space<semaphore_mem>>) src(%arg12 : memref<41x128xf32, #tpu.memory_space<vmem>>) dst(%dma_wait3A_97 : memref<41x128xf32, #tpu.memory_space<vmem_shared>>)
      tpu.yield
    }) : () -> ()
    %mul3A_39 = arith.constant 328 : i32
    %mul3A_40 = arith.muli %arg1, %mul3A_39 : i32
    %add3A_41 = arith.constant 287 : i32
    %add3A_42 = arith.addi %mul3A_40, %add3A_41 : i32
    "tpu.region"() ({
      %run_scoped3A_90 = tpu.sem_alloc : memref<!tpu.dma_semaphore, #tpu.memory_space<semaphore_mem>>
      %dma_start3A_91 = arith.constant 0 : i32
      %dma_start3A_92 = tpu.memref_slice %arg13[%add3A_42, %dma_start3A_91] : memref<5248x128xf32, #tpu.memory_space<vmem_shared>> -> memref<41x128xf32, #tpu.memory_space<vmem_shared>>
      %dma_start3A_93 = arith.constant 0 : i32
      %dma_start3A_94 = tpu.memref_slice %arg13[%add3A_42, %dma_start3A_93] : memref<5248x128xf32, #tpu.memory_space<vmem_shared>> -> memref<41x128xf32, #tpu.memory_space<vmem_shared>>
      tpu.enqueue_dma source(%arg12 : memref<41x128xf32, #tpu.memory_space<vmem>>) target(%dma_start3A_94 : memref<41x128xf32, #tpu.memory_space<vmem_shared>>) target_semaphore(%run_scoped3A_90 : memref<!tpu.dma_semaphore, #tpu.memory_space<semaphore_mem>>)
      %dma_wait3A = arith.constant 0 : i32
      %dma_wait3A_95 = tpu.memref_slice %arg13[%add3A_42, %dma_wait3A] : memref<5248x128xf32, #tpu.memory_space<vmem_shared>> -> memref<41x128xf32, #tpu.memory_space<vmem_shared>>
      %dma_wait3A_96 = arith.constant 0 : i32
      %dma_wait3A_97 = tpu.memref_slice %arg13[%add3A_42, %dma_wait3A_96] : memref<5248x128xf32, #tpu.memory_space<vmem_shared>> -> memref<41x128xf32, #tpu.memory_space<vmem_shared>>
      tpu.wait_dma2 semaphore(%run_scoped3A_90 : memref<!tpu.dma_semaphore, #tpu.memory_space<semaphore_mem>>) src(%arg12 : memref<41x128xf32, #tpu.memory_space<vmem>>) dst(%dma_wait3A_97 : memref<41x128xf32, #tpu.memory_space<vmem_shared>>)
      tpu.yield
    }) : () -> ()
    %barrier3A = arith.constant 0 : index
    tpu.barrier barrier_id(%barrier3A)
    %broadcast_in_dim3A_43 = arith.constant 1.000000e+00 : f32
    %broadcast_in_dim3A_44 = vector.broadcast %broadcast_in_dim3A_43 : f32 to vector<16xf32>
    %mul3A_45 = arith.constant 5000 : i32
    %mul3A_46 = arith.muli %arg0, %mul3A_45 : i32
    %run_scoped3A = arith.constant 0 : i32
    "tpu.region"() ({
      %run_scoped3A_90 = tpu.sem_alloc : memref<!tpu.dma_semaphore, #tpu.memory_space<semaphore_mem>>
      %dma_start3A_91 = arith.constant 0 : i32
      %dma_start3A_92 = arith.constant 0 : i32
      %dma_start3A_93 = tpu.memref_slice %arg3[%arg1, %run_scoped3A, %dma_start3A_91, %dma_start3A_92] : memref<16x2x125x80xi32, #tpu.memory_space<hbm>> -> memref<1x1x125x80xi32, #tpu.memory_space<hbm>>
      %dma_start3A_94 = tpu.memref_squeeze %dma_start3A_93 : memref<1x1x125x80xi32, #tpu.memory_space<hbm>> -> memref<125x80xi32, #tpu.memory_space<hbm>>
      %dma_start3A_95 = arith.constant 0 : i32
      %dma_start3A_96 = arith.constant 0 : i32
      %dma_start3A_97 = tpu.memref_slice %arg3[%arg1, %run_scoped3A, %dma_start3A_95, %dma_start3A_96] : memref<16x2x125x80xi32, #tpu.memory_space<hbm>> -> memref<1x1x125x80xi32, #tpu.memory_space<hbm>>
      %dma_start3A_98 = tpu.memref_squeeze %dma_start3A_97 : memref<1x1x125x80xi32, #tpu.memory_space<hbm>> -> memref<125x80xi32, #tpu.memory_space<hbm>>
      tpu.enqueue_dma source(%dma_start3A_98 : memref<125x80xi32, #tpu.memory_space<hbm>>) target(%arg7 : memref<125x80xi32, #tpu.memory_space<vmem>>) target_semaphore(%run_scoped3A_90 : memref<!tpu.dma_semaphore, #tpu.memory_space<semaphore_mem>>)
      %dma_wait3A = arith.constant 0 : i32
      %dma_wait3A_99 = arith.constant 0 : i32
      %dma_wait3A_100 = tpu.memref_slice %arg3[%arg1, %run_scoped3A, %dma_wait3A, %dma_wait3A_99] : memref<16x2x125x80xi32, #tpu.memory_space<hbm>> -> memref<1x1x125x80xi32, #tpu.memory_space<hbm>>
      %dma_wait3A_101 = tpu.memref_squeeze %dma_wait3A_100 : memref<1x1x125x80xi32, #tpu.memory_space<hbm>> -> memref<125x80xi32, #tpu.memory_space<hbm>>
      %dma_wait3A_102 = arith.constant 0 : i32
      %dma_wait3A_103 = arith.constant 0 : i32
      %dma_wait3A_104 = tpu.memref_slice %arg3[%arg1, %run_scoped3A, %dma_wait3A_102, %dma_wait3A_103] : memref<16x2x125x80xi32, #tpu.memory_space<hbm>> -> memref<1x1x125x80xi32, #tpu.memory_space<hbm>>
      %dma_wait3A_105 = tpu.memref_squeeze %dma_wait3A_104 : memref<1x1x125x80xi32, #tpu.memory_space<hbm>> -> memref<125x80xi32, #tpu.memory_space<hbm>>
      tpu.wait_dma2 semaphore(%run_scoped3A_90 : memref<!tpu.dma_semaphore, #tpu.memory_space<semaphore_mem>>) src(%dma_wait3A_105 : memref<125x80xi32, #tpu.memory_space<hbm>>) dst(%arg7 : memref<125x80xi32, #tpu.memory_space<vmem>>)
      tpu.yield
    }) : () -> ()
    %run_scoped3A_47 = arith.constant 0 : i32
    "tpu.region"() ({
      %run_scoped3A_90 = tpu.sem_alloc : memref<!tpu.dma_semaphore, #tpu.memory_space<semaphore_mem>>
      %dma_start3A_91 = arith.constant 0 : i32
      %dma_start3A_92 = arith.constant 0 : i32
      %dma_start3A_93 = tpu.memref_slice %arg4[%arg1, %run_scoped3A_47, %dma_start3A_91, %dma_start3A_92] : memref<16x2x125x80xi32, #tpu.memory_space<hbm>> -> memref<1x1x125x80xi32, #tpu.memory_space<hbm>>
      %dma_start3A_94 = tpu.memref_squeeze %dma_start3A_93 : memref<1x1x125x80xi32, #tpu.memory_space<hbm>> -> memref<125x80xi32, #tpu.memory_space<hbm>>
      %dma_start3A_95 = arith.constant 0 : i32
      %dma_start3A_96 = arith.constant 0 : i32
      %dma_start3A_97 = tpu.memref_slice %arg4[%arg1, %run_scoped3A_47, %dma_start3A_95, %dma_start3A_96] : memref<16x2x125x80xi32, #tpu.memory_space<hbm>> -> memref<1x1x125x80xi32, #tpu.memory_space<hbm>>
      %dma_start3A_98 = tpu.memref_squeeze %dma_start3A_97 : memref<1x1x125x80xi32, #tpu.memory_space<hbm>> -> memref<125x80xi32, #tpu.memory_space<hbm>>
      tpu.enqueue_dma source(%dma_start3A_98 : memref<125x80xi32, #tpu.memory_space<hbm>>) target(%arg8 : memref<125x80xi32, #tpu.memory_space<vmem>>) target_semaphore(%run_scoped3A_90 : memref<!tpu.dma_semaphore, #tpu.memory_space<semaphore_mem>>)
      %dma_wait3A = arith.constant 0 : i32
      %dma_wait3A_99 = arith.constant 0 : i32
      %dma_wait3A_100 = tpu.memref_slice %arg4[%arg1, %run_scoped3A_47, %dma_wait3A, %dma_wait3A_99] : memref<16x2x125x80xi32, #tpu.memory_space<hbm>> -> memref<1x1x125x80xi32, #tpu.memory_space<hbm>>
      %dma_wait3A_101 = tpu.memref_squeeze %dma_wait3A_100 : memref<1x1x125x80xi32, #tpu.memory_space<hbm>> -> memref<125x80xi32, #tpu.memory_space<hbm>>
      %dma_wait3A_102 = arith.constant 0 : i32
      %dma_wait3A_103 = arith.constant 0 : i32
      %dma_wait3A_104 = tpu.memref_slice %arg4[%arg1, %run_scoped3A_47, %dma_wait3A_102, %dma_wait3A_103] : memref<16x2x125x80xi32, #tpu.memory_space<hbm>> -> memref<1x1x125x80xi32, #tpu.memory_space<hbm>>
      %dma_wait3A_105 = tpu.memref_squeeze %dma_wait3A_104 : memref<1x1x125x80xi32, #tpu.memory_space<hbm>> -> memref<125x80xi32, #tpu.memory_space<hbm>>
      tpu.wait_dma2 semaphore(%run_scoped3A_90 : memref<!tpu.dma_semaphore, #tpu.memory_space<semaphore_mem>>) src(%dma_wait3A_105 : memref<125x80xi32, #tpu.memory_space<hbm>>) dst(%arg8 : memref<125x80xi32, #tpu.memory_space<vmem>>)
      tpu.yield
    }) : () -> ()
    %scan3A_48 = arith.constant 0 : i32
    %scan3A_49 = arith.constant 625 : i32
    %scan3A_50 = arith.addi %scan3A_48, %scan3A_49 : i32
    %scan3A_51 = arith.constant 1 : i32
    scf.for %scan3A_90 = %scan3A_48 to %scan3A_50 step %scan3A_51  : i32 {
      %mul3A_91 = arith.constant 1 : i32
      %mul3A_92 = arith.muli %scan3A_90, %mul3A_91 : i32
      %add3A_93 = arith.constant 0 : i32
      %add3A_94 = arith.addi %add3A_93, %mul3A_92 : i32
      %jit3A = arith.constant 5 : i32
      %div3A = arith.divsi %add3A_94, %jit3A : i32
      %sign3A = arith.constant 0 : i32
      %sign3A_95 = arith.cmpi sgt, %add3A_94, %sign3A : i32
      %sign3A_96 = arith.extui %sign3A_95 : i1 to i32
      %sign3A_97 = arith.constant 0 : i32
      %sign3A_98 = arith.cmpi slt, %add3A_94, %sign3A_97 : i32
      %sign3A_99 = arith.extui %sign3A_98 : i1 to i32
      %sign3A_100 = arith.subi %sign3A_96, %sign3A_99 : i32
      %sign3A_101 = arith.constant 0 : i32
      %sign3A_102 = arith.cmpi sgt, %jit3A, %sign3A_101 : i32
      %sign3A_103 = arith.extui %sign3A_102 : i1 to i32
      %sign3A_104 = arith.constant 0 : i32
      %sign3A_105 = arith.cmpi slt, %jit3A, %sign3A_104 : i32
      %sign3A_106 = arith.extui %sign3A_105 : i1 to i32
      %sign3A_107 = arith.subi %sign3A_103, %sign3A_106 : i32
      %ne3A = arith.cmpi ne, %sign3A_100, %sign3A_107 : i32
      %rem3A = arith.remsi %add3A_94, %jit3A : i32
      %ne3A_108 = arith.constant 0 : i32
      %ne3A_109 = arith.cmpi ne, %rem3A, %ne3A_108 : i32
      %and3A = arith.andi %ne3A, %ne3A_109 : i1
      %sub3A = arith.constant 1 : i32
      %sub3A_110 = arith.subi %div3A, %sub3A : i32
      %select_n3A = arith.select %and3A, %sub3A_110, %div3A : i32
      %jit3A_111 = arith.constant 5 : i32
      %eq3A = arith.constant 0 : i32
      %eq3A_112 = arith.cmpi eq, %jit3A_111, %eq3A : i32
      %jit3A_113 = arith.constant 1 : i32
      %select_n3A_114 = arith.select %eq3A_112, %jit3A_113, %jit3A_111 : i32
      %rem3A_115 = arith.remsi %add3A_94, %select_n3A_114 : i32
      %ne3A_116 = arith.constant 0 : i32
      %ne3A_117 = arith.cmpi ne, %rem3A_115, %ne3A_116 : i32
      %lt3A = arith.constant 0 : i32
      %lt3A_118 = arith.cmpi slt, %rem3A_115, %lt3A : i32
      %lt3A_119 = arith.constant 0 : i32
      %lt3A_120 = arith.cmpi slt, %select_n3A_114, %lt3A_119 : i32
      %ne3A_121 = arith.xori %lt3A_118, %lt3A_120 : i1
      %and3A_122 = arith.andi %ne3A_121, %ne3A_117 : i1
      %add3A_123 = arith.addi %rem3A_115, %select_n3A_114 : i32
      %select_n3A_124 = arith.select %and3A_122, %add3A_123, %rem3A_115 : i32
      %mul3A_125 = arith.constant 16 : i32
      %mul3A_126 = arith.muli %select_n3A_124, %mul3A_125 : i32
      %get3A = arith.index_cast %select_n3A : i32 to index
      %get3A_127 = arith.index_cast %mul3A_126 : i32 to index
      %get3A_128 = tpu.vector_load %arg8[%get3A, %get3A_127] {strides = array<i32>} : memref<125x80xi32, #tpu.memory_space<vmem>>, vector<16xi32>,
      %sub3A_129 = vector.broadcast %mul3A_46 : i32 to vector<16xi32>
      %sub3A_130 = arith.subi %get3A_128, %sub3A_129 : vector<16xi32>
      %ge3A = arith.constant 0 : i32
      %ge3A_131 = vector.broadcast %ge3A : i32 to vector<16xi32>
      %ge3A_132 = arith.cmpi sge, %sub3A_130, %ge3A_131 : vector<16xi32>
      %lt3A_133 = arith.constant 5000 : i32
      %lt3A_134 = vector.broadcast %lt3A_133 : i32 to vector<16xi32>
      %lt3A_135 = arith.cmpi slt, %sub3A_130, %lt3A_134 : vector<16xi32>
      %and3A_136 = arith.andi %ge3A_132, %lt3A_135 : vector<16xi1>
      %jit3A_137 = arith.constant 5240 : i32
      %broadcast_in_dim3A_138 = vector.broadcast %jit3A_137 : i32 to vector<16xi32>
      %select_n3A_139 = arith.select %and3A_136, %sub3A_130, %broadcast_in_dim3A_138 : vector<16xi1>, vector<16xi32>
      %mul3A_140 = arith.constant 16 : i32
      %mul3A_141 = arith.muli %select_n3A_124, %mul3A_140 : i32
      %swap3A = arith.index_cast %select_n3A : i32 to index
      %swap3A_142 = arith.index_cast %mul3A_141 : i32 to index
      %swap3A_143 = tpu.vector_load %arg8[%swap3A, %swap3A_142] {strides = array<i32>} : memref<125x80xi32, #tpu.memory_space<vmem>>, vector<16xi32>,
      tpu.vector_store %arg8[%swap3A, %swap3A_142], %select_n3A_139 {strides = array<i32>} : memref<125x80xi32, #tpu.memory_space<vmem>>, vector<16xi32>,
      tpu.vector_store_idx %arg11[%select_n3A_139], %broadcast_in_dim3A_44 {add = true} : memref<5248xf32, #tpu.memory_space<vmem>>[vector<16xi32>], vector<16xf32>,
    }
    %scan3A_52 = arith.constant 625 : i32
    %dma_start3A = arith.constant 0 : i32
    %dma_start3A_53 = arith.constant 0 : i32
    %dma_start3A_54 = tpu.memref_slice %arg7[%dma_start3A, %dma_start3A_53] : memref<125x80xi32, #tpu.memory_space<vmem>> -> memref<1x80xi32, #tpu.memory_space<vmem>>
    %dma_start3A_55 = tpu.memref_squeeze %dma_start3A_54 : memref<1x80xi32, #tpu.memory_space<vmem>> -> memref<80xi32, #tpu.memory_space<vmem>>
    %dma_start3A_56 = arith.constant 0 : i32
    %dma_start3A_57 = arith.constant 0 : i32
    %dma_start3A_58 = tpu.memref_slice %arg2[%dma_start3A_56, %dma_start3A_57] : memref<10000x128xf32, #tpu.memory_space<hbm>> -> memref<10000x128xf32, #tpu.memory_space<hbm>>
    tpu.enqueue_indirect_dma source(%dma_start3A_58 : memref<10000x128xf32, #tpu.memory_space<hbm>>) target(%arg9 : memref<80x128xf32, #tpu.memory_space<vmem>>) offsets(%dma_start3A_55 : memref<80xi32, #tpu.memory_space<vmem>>) semaphore(%arg14 : memref<!tpu.dma_semaphore, #tpu.memory_space<semaphore_mem>>)
    %scan3A_59 = arith.constant 0 : i32
    %scan3A_60 = arith.constant 62 : i32
    %scan3A_61 = arith.addi %scan3A_59, %scan3A_60 : i32
    %scan3A_62 = arith.constant 1 : i32
    scf.for %scan3A_90 = %scan3A_59 to %scan3A_61 step %scan3A_62  : i32 {
      %mul3A_91 = arith.constant 1 : i32
      %mul3A_92 = arith.muli %scan3A_90, %mul3A_91 : i32
      %add3A_93 = arith.constant 0 : i32
      %add3A_94 = arith.addi %add3A_93, %mul3A_92 : i32
      %mul3A_95 = arith.constant 2 : i32
      %mul3A_96 = arith.muli %mul3A_95, %add3A_94 : i32
      %add3A_97 = arith.constant 1 : i32
      %add3A_98 = arith.addi %mul3A_96, %add3A_97 : i32
      %dma_start3A_99 = arith.constant 0 : i32
      %dma_start3A_100 = tpu.memref_slice %arg7[%add3A_98, %dma_start3A_99] : memref<125x80xi32, #tpu.memory_space<vmem>> -> memref<1x80xi32, #tpu.memory_space<vmem>>
      %dma_start3A_101 = tpu.memref_squeeze %dma_start3A_100 : memref<1x80xi32, #tpu.memory_space<vmem>> -> memref<80xi32, #tpu.memory_space<vmem>>
      %dma_start3A_102 = arith.constant 0 : i32
      %dma_start3A_103 = arith.constant 0 : i32
      %dma_start3A_104 = tpu.memref_slice %arg2[%dma_start3A_102, %dma_start3A_103] : memref<10000x128xf32, #tpu.memory_space<hbm>> -> memref<10000x128xf32, #tpu.memory_space<hbm>>
      tpu.enqueue_indirect_dma source(%dma_start3A_104 : memref<10000x128xf32, #tpu.memory_space<hbm>>) target(%arg10 : memref<80x128xf32, #tpu.memory_space<vmem>>) offsets(%dma_start3A_101 : memref<80xi32, #tpu.memory_space<vmem>>) semaphore(%arg15 : memref<!tpu.dma_semaphore, #tpu.memory_space<semaphore_mem>>)
      %dma_wait3A = arith.constant 0 : i32
      %dma_wait3A_105 = arith.constant 0 : i32
      %dma_wait3A_106 = tpu.memref_slice %arg2[%dma_wait3A, %dma_wait3A_105] : memref<10000x128xf32, #tpu.memory_space<hbm>> -> memref<80x128xf32, #tpu.memory_space<hbm>>
      %dma_wait3A_107 = arith.constant 0 : i32
      %dma_wait3A_108 = arith.constant 0 : i32
      %dma_wait3A_109 = tpu.memref_slice %arg2[%dma_wait3A_107, %dma_wait3A_108] : memref<10000x128xf32, #tpu.memory_space<hbm>> -> memref<80x128xf32, #tpu.memory_space<hbm>>
      tpu.wait_dma2 semaphore(%arg14 : memref<!tpu.dma_semaphore, #tpu.memory_space<semaphore_mem>>) src(%dma_wait3A_109 : memref<80x128xf32, #tpu.memory_space<hbm>>) dst(%arg9 : memref<80x128xf32, #tpu.memory_space<vmem>>)
      "tpu.region"() ({
        %run_scoped3A_122 = tpu.sem_alloc : memref<!tpu.dma_semaphore, #tpu.memory_space<semaphore_mem>>
        %dma_start3A_123 = arith.constant 0 : i32
        %dma_start3A_124 = tpu.memref_slice %arg8[%mul3A_96, %dma_start3A_123] : memref<125x80xi32, #tpu.memory_space<vmem>> -> memref<1x80xi32, #tpu.memory_space<vmem>>
        %dma_start3A_125 = tpu.memref_squeeze %dma_start3A_124 : memref<1x80xi32, #tpu.memory_space<vmem>> -> memref<80xi32, #tpu.memory_space<vmem>>
        %dma_start3A_126 = arith.constant 0 : i32
        %dma_start3A_127 = arith.constant 0 : i32
        %dma_start3A_128 = tpu.memref_slice %arg13[%dma_start3A_126, %dma_start3A_127] : memref<5248x128xf32, #tpu.memory_space<vmem_shared>> -> memref<5248x128xf32, #tpu.memory_space<vmem_shared>>
        tpu.enqueue_indirect_dma source(%arg9 : memref<80x128xf32, #tpu.memory_space<vmem>>) target(%dma_start3A_128 : memref<5248x128xf32, #tpu.memory_space<vmem_shared>>) offsets(%dma_start3A_125 : memref<80xi32, #tpu.memory_space<vmem>>) semaphore(%run_scoped3A_122 : memref<!tpu.dma_semaphore, #tpu.memory_space<semaphore_mem>>) {add = true}
        %dma_wait3A_129 = arith.constant 0 : i32
        %dma_wait3A_130 = tpu.memref_slice %arg8[%mul3A_96, %dma_wait3A_129] : memref<125x80xi32, #tpu.memory_space<vmem>> -> memref<1x80xi32, #tpu.memory_space<vmem>>
        %dma_wait3A_131 = tpu.memref_squeeze %dma_wait3A_130 : memref<1x80xi32, #tpu.memory_space<vmem>> -> memref<80xi32, #tpu.memory_space<vmem>>
        %dma_wait3A_132 = arith.constant 0 : i32
        %dma_wait3A_133 = arith.constant 0 : i32
        %dma_wait3A_134 = tpu.memref_slice %arg13[%dma_wait3A_132, %dma_wait3A_133] : memref<5248x128xf32, #tpu.memory_space<vmem_shared>> -> memref<5248x128xf32, #tpu.memory_space<vmem_shared>>
        tpu.wait_indirect_dma semaphore(%run_scoped3A_122 : memref<!tpu.dma_semaphore, #tpu.memory_space<semaphore_mem>>) src(%arg9 : memref<80x128xf32, #tpu.memory_space<vmem>>) dst(%dma_wait3A_134 : memref<5248x128xf32, #tpu.memory_space<vmem_shared>>)
        tpu.yield
      }) : () -> ()
      %add3A_110 = arith.constant 2 : i32
      %add3A_111 = arith.addi %mul3A_96, %add3A_110 : i32
      %lt3A = arith.constant 125 : i32
      %lt3A_112 = arith.cmpi slt, %add3A_111, %lt3A : i32
      %convert_element_type3A = arith.extui %lt3A_112 : i1 to i32
      %cond3A = arith.constant 0 : i32
      %cond3A_113 = arith.cmpi ne, %convert_element_type3A, %cond3A : i32
      scf.if %cond3A_113 {
        %add3A_122 = arith.constant 2 : i32
        %add3A_123 = arith.addi %mul3A_96, %add3A_122 : i32
        %dma_start3A_124 = arith.constant 0 : i32
        %dma_start3A_125 = tpu.memref_slice %arg7[%add3A_123, %dma_start3A_124] : memref<125x80xi32, #tpu.memory_space<vmem>> -> memref<1x80xi32, #tpu.memory_space<vmem>>
        %dma_start3A_126 = tpu.memref_squeeze %dma_start3A_125 : memref<1x80xi32, #tpu.memory_space<vmem>> -> memref<80xi32, #tpu.memory_space<vmem>>
        %dma_start3A_127 = arith.constant 0 : i32
        %dma_start3A_128 = arith.constant 0 : i32
        %dma_start3A_129 = tpu.memref_slice %arg2[%dma_start3A_127, %dma_start3A_128] : memref<10000x128xf32, #tpu.memory_space<hbm>> -> memref<10000x128xf32, #tpu.memory_space<hbm>>
        tpu.enqueue_indirect_dma source(%dma_start3A_129 : memref<10000x128xf32, #tpu.memory_space<hbm>>) target(%arg9 : memref<80x128xf32, #tpu.memory_space<vmem>>) offsets(%dma_start3A_126 : memref<80xi32, #tpu.memory_space<vmem>>) semaphore(%arg14 : memref<!tpu.dma_semaphore, #tpu.memory_space<semaphore_mem>>)
      } else {
      }
      %dma_wait3A_114 = arith.constant 0 : i32
      %dma_wait3A_115 = arith.constant 0 : i32
      %dma_wait3A_116 = tpu.memref_slice %arg2[%dma_wait3A_114, %dma_wait3A_115] : memref<10000x128xf32, #tpu.memory_space<hbm>> -> memref<80x128xf32, #tpu.memory_space<hbm>>
      %dma_wait3A_117 = arith.constant 0 : i32
      %dma_wait3A_118 = arith.constant 0 : i32
      %dma_wait3A_119 = tpu.memref_slice %arg2[%dma_wait3A_117, %dma_wait3A_118] : memref<10000x128xf32, #tpu.memory_space<hbm>> -> memref<80x128xf32, #tpu.memory_space<hbm>>
      tpu.wait_dma2 semaphore(%arg15 : memref<!tpu.dma_semaphore, #tpu.memory_space<semaphore_mem>>) src(%dma_wait3A_119 : memref<80x128xf32, #tpu.memory_space<hbm>>) dst(%arg10 : memref<80x128xf32, #tpu.memory_space<vmem>>)
      %add3A_120 = arith.constant 1 : i32
      %add3A_121 = arith.addi %mul3A_96, %add3A_120 : i32
      "tpu.region"() ({
        %run_scoped3A_122 = tpu.sem_alloc : memref<!tpu.dma_semaphore, #tpu.memory_space<semaphore_mem>>
        %dma_start3A_123 = arith.constant 0 : i32
        %dma_start3A_124 = tpu.memref_slice %arg8[%add3A_121, %dma_start3A_123] : memref<125x80xi32, #tpu.memory_space<vmem>> -> memref<1x80xi32, #tpu.memory_space<vmem>>
        %dma_start3A_125 = tpu.memref_squeeze %dma_start3A_124 : memref<1x80xi32, #tpu.memory_space<vmem>> -> memref<80xi32, #tpu.memory_space<vmem>>
        %dma_start3A_126 = arith.constant 0 : i32
        %dma_start3A_127 = arith.constant 0 : i32
        %dma_start3A_128 = tpu.memref_slice %arg13[%dma_start3A_126, %dma_start3A_127] : memref<5248x128xf32, #tpu.memory_space<vmem_shared>> -> memref<5248x128xf32, #tpu.memory_space<vmem_shared>>
        tpu.enqueue_indirect_dma source(%arg10 : memref<80x128xf32, #tpu.memory_space<vmem>>) target(%dma_start3A_128 : memref<5248x128xf32, #tpu.memory_space<vmem_shared>>) offsets(%dma_start3A_125 : memref<80xi32, #tpu.memory_space<vmem>>) semaphore(%run_scoped3A_122 : memref<!tpu.dma_semaphore, #tpu.memory_space<semaphore_mem>>) {add = true}
        %dma_wait3A_129 = arith.constant 0 : i32
        %dma_wait3A_130 = tpu.memref_slice %arg8[%add3A_121, %dma_wait3A_129] : memref<125x80xi32, #tpu.memory_space<vmem>> -> memref<1x80xi32, #tpu.memory_space<vmem>>
        %dma_wait3A_131 = tpu.memref_squeeze %dma_wait3A_130 : memref<1x80xi32, #tpu.memory_space<vmem>> -> memref<80xi32, #tpu.memory_space<vmem>>
        %dma_wait3A_132 = arith.constant 0 : i32
        %dma_wait3A_133 = arith.constant 0 : i32
        %dma_wait3A_134 = tpu.memref_slice %arg13[%dma_wait3A_132, %dma_wait3A_133] : memref<5248x128xf32, #tpu.memory_space<vmem_shared>> -> memref<5248x128xf32, #tpu.memory_space<vmem_shared>>
        tpu.wait_indirect_dma semaphore(%run_scoped3A_122 : memref<!tpu.dma_semaphore, #tpu.memory_space<semaphore_mem>>) src(%arg10 : memref<80x128xf32, #tpu.memory_space<vmem>>) dst(%dma_wait3A_134 : memref<5248x128xf32, #tpu.memory_space<vmem_shared>>)
        tpu.yield
      }) : () -> ()
    }
    %scan3A_63 = arith.constant 62 : i32
    %run_scoped3A_64 = arith.constant 1 : i32
    "tpu.region"() ({
      %run_scoped3A_90 = tpu.sem_alloc : memref<!tpu.dma_semaphore, #tpu.memory_space<semaphore_mem>>
      %dma_start3A_91 = arith.constant 0 : i32
      %dma_start3A_92 = arith.constant 0 : i32
      %dma_start3A_93 = tpu.memref_slice %arg3[%arg1, %run_scoped3A_64, %dma_start3A_91, %dma_start3A_92] : memref<16x2x125x80xi32, #tpu.memory_space<hbm>> -> memref<1x1x125x80xi32, #tpu.memory_space<hbm>>
      %dma_start3A_94 = tpu.memref_squeeze %dma_start3A_93 : memref<1x1x125x80xi32, #tpu.memory_space<hbm>> -> memref<125x80xi32, #tpu.memory_space<hbm>>
      %dma_start3A_95 = arith.constant 0 : i32
      %dma_start3A_96 = arith.constant 0 : i32
      %dma_start3A_97 = tpu.memref_slice %arg3[%arg1, %run_scoped3A_64, %dma_start3A_95, %dma_start3A_96] : memref<16x2x125x80xi32, #tpu.memory_space<hbm>> -> memref<1x1x125x80xi32, #tpu.memory_space<hbm>>
      %dma_start3A_98 = tpu.memref_squeeze %dma_start3A_97 : memref<1x1x125x80xi32, #tpu.memory_space<hbm>> -> memref<125x80xi32, #tpu.memory_space<hbm>>
      tpu.enqueue_dma source(%dma_start3A_98 : memref<125x80xi32, #tpu.memory_space<hbm>>) target(%arg7 : memref<125x80xi32, #tpu.memory_space<vmem>>) target_semaphore(%run_scoped3A_90 : memref<!tpu.dma_semaphore, #tpu.memory_space<semaphore_mem>>)
      %dma_wait3A = arith.constant 0 : i32
      %dma_wait3A_99 = arith.constant 0 : i32
      %dma_wait3A_100 = tpu.memref_slice %arg3[%arg1, %run_scoped3A_64, %dma_wait3A, %dma_wait3A_99] : memref<16x2x125x80xi32, #tpu.memory_space<hbm>> -> memref<1x1x125x80xi32, #tpu.memory_space<hbm>>
      %dma_wait3A_101 = tpu.memref_squeeze %dma_wait3A_100 : memref<1x1x125x80xi32, #tpu.memory_space<hbm>> -> memref<125x80xi32, #tpu.memory_space<hbm>>
      %dma_wait3A_102 = arith.constant 0 : i32
      %dma_wait3A_103 = arith.constant 0 : i32
      %dma_wait3A_104 = tpu.memref_slice %arg3[%arg1, %run_scoped3A_64, %dma_wait3A_102, %dma_wait3A_103] : memref<16x2x125x80xi32, #tpu.memory_space<hbm>> -> memref<1x1x125x80xi32, #tpu.memory_space<hbm>>
      %dma_wait3A_105 = tpu.memref_squeeze %dma_wait3A_104 : memref<1x1x125x80xi32, #tpu.memory_space<hbm>> -> memref<125x80xi32, #tpu.memory_space<hbm>>
      tpu.wait_dma2 semaphore(%run_scoped3A_90 : memref<!tpu.dma_semaphore, #tpu.memory_space<semaphore_mem>>) src(%dma_wait3A_105 : memref<125x80xi32, #tpu.memory_space<hbm>>) dst(%arg7 : memref<125x80xi32, #tpu.memory_space<vmem>>)
      tpu.yield
    }) : () -> ()
    %run_scoped3A_65 = arith.constant 1 : i32
    "tpu.region"() ({
      %run_scoped3A_90 = tpu.sem_alloc : memref<!tpu.dma_semaphore, #tpu.memory_space<semaphore_mem>>
      %dma_start3A_91 = arith.constant 0 : i32
      %dma_start3A_92 = arith.constant 0 : i32
      %dma_start3A_93 = tpu.memref_slice %arg4[%arg1, %run_scoped3A_65, %dma_start3A_91, %dma_start3A_92] : memref<16x2x125x80xi32, #tpu.memory_space<hbm>> -> memref<1x1x125x80xi32, #tpu.memory_space<hbm>>
      %dma_start3A_94 = tpu.memref_squeeze %dma_start3A_93 : memref<1x1x125x80xi32, #tpu.memory_space<hbm>> -> memref<125x80xi32, #tpu.memory_space<hbm>>
      %dma_start3A_95 = arith.constant 0 : i32
      %dma_start3A_96 = arith.constant 0 : i32
      %dma_start3A_97 = tpu.memref_slice %arg4[%arg1, %run_scoped3A_65, %dma_start3A_95, %dma_start3A_96] : memref<16x2x125x80xi32, #tpu.memory_space<hbm>> -> memref<1x1x125x80xi32, #tpu.memory_space<hbm>>
      %dma_start3A_98 = tpu.memref_squeeze %dma_start3A_97 : memref<1x1x125x80xi32, #tpu.memory_space<hbm>> -> memref<125x80xi32, #tpu.memory_space<hbm>>
      tpu.enqueue_dma source(%dma_start3A_98 : memref<125x80xi32, #tpu.memory_space<hbm>>) target(%arg8 : memref<125x80xi32, #tpu.memory_space<vmem>>) target_semaphore(%run_scoped3A_90 : memref<!tpu.dma_semaphore, #tpu.memory_space<semaphore_mem>>)
      %dma_wait3A = arith.constant 0 : i32
      %dma_wait3A_99 = arith.constant 0 : i32
      %dma_wait3A_100 = tpu.memref_slice %arg4[%arg1, %run_scoped3A_65, %dma_wait3A, %dma_wait3A_99] : memref<16x2x125x80xi32, #tpu.memory_space<hbm>> -> memref<1x1x125x80xi32, #tpu.memory_space<hbm>>
      %dma_wait3A_101 = tpu.memref_squeeze %dma_wait3A_100 : memref<1x1x125x80xi32, #tpu.memory_space<hbm>> -> memref<125x80xi32, #tpu.memory_space<hbm>>
      %dma_wait3A_102 = arith.constant 0 : i32
      %dma_wait3A_103 = arith.constant 0 : i32
      %dma_wait3A_104 = tpu.memref_slice %arg4[%arg1, %run_scoped3A_65, %dma_wait3A_102, %dma_wait3A_103] : memref<16x2x125x80xi32, #tpu.memory_space<hbm>> -> memref<1x1x125x80xi32, #tpu.memory_space<hbm>>
      %dma_wait3A_105 = tpu.memref_squeeze %dma_wait3A_104 : memref<1x1x125x80xi32, #tpu.memory_space<hbm>> -> memref<125x80xi32, #tpu.memory_space<hbm>>
      tpu.wait_dma2 semaphore(%run_scoped3A_90 : memref<!tpu.dma_semaphore, #tpu.memory_space<semaphore_mem>>) src(%dma_wait3A_105 : memref<125x80xi32, #tpu.memory_space<hbm>>) dst(%arg8 : memref<125x80xi32, #tpu.memory_space<vmem>>)
      tpu.yield
    }) : () -> ()
    %scan3A_66 = arith.constant 0 : i32
    %scan3A_67 = arith.constant 625 : i32
    %scan3A_68 = arith.addi %scan3A_66, %scan3A_67 : i32
    %scan3A_69 = arith.constant 1 : i32
    scf.for %scan3A_90 = %scan3A_66 to %scan3A_68 step %scan3A_69  : i32 {
      %mul3A_91 = arith.constant 1 : i32
      %mul3A_92 = arith.muli %scan3A_90, %mul3A_91 : i32
      %add3A_93 = arith.constant 0 : i32
      %add3A_94 = arith.addi %add3A_93, %mul3A_92 : i32
      %jit3A = arith.constant 5 : i32
      %div3A = arith.divsi %add3A_94, %jit3A : i32
      %sign3A = arith.constant 0 : i32
      %sign3A_95 = arith.cmpi sgt, %add3A_94, %sign3A : i32
      %sign3A_96 = arith.extui %sign3A_95 : i1 to i32
      %sign3A_97 = arith.constant 0 : i32
      %sign3A_98 = arith.cmpi slt, %add3A_94, %sign3A_97 : i32
      %sign3A_99 = arith.extui %sign3A_98 : i1 to i32
      %sign3A_100 = arith.subi %sign3A_96, %sign3A_99 : i32
      %sign3A_101 = arith.constant 0 : i32
      %sign3A_102 = arith.cmpi sgt, %jit3A, %sign3A_101 : i32
      %sign3A_103 = arith.extui %sign3A_102 : i1 to i32
      %sign3A_104 = arith.constant 0 : i32
      %sign3A_105 = arith.cmpi slt, %jit3A, %sign3A_104 : i32
      %sign3A_106 = arith.extui %sign3A_105 : i1 to i32
      %sign3A_107 = arith.subi %sign3A_103, %sign3A_106 : i32
      %ne3A = arith.cmpi ne, %sign3A_100, %sign3A_107 : i32
      %rem3A = arith.remsi %add3A_94, %jit3A : i32
      %ne3A_108 = arith.constant 0 : i32
      %ne3A_109 = arith.cmpi ne, %rem3A, %ne3A_108 : i32
      %and3A = arith.andi %ne3A, %ne3A_109 : i1
      %sub3A = arith.constant 1 : i32
      %sub3A_110 = arith.subi %div3A, %sub3A : i32
      %select_n3A = arith.select %and3A, %sub3A_110, %div3A : i32
      %jit3A_111 = arith.constant 5 : i32
      %eq3A = arith.constant 0 : i32
      %eq3A_112 = arith.cmpi eq, %jit3A_111, %eq3A : i32
      %jit3A_113 = arith.constant 1 : i32
      %select_n3A_114 = arith.select %eq3A_112, %jit3A_113, %jit3A_111 : i32
      %rem3A_115 = arith.remsi %add3A_94, %select_n3A_114 : i32
      %ne3A_116 = arith.constant 0 : i32
      %ne3A_117 = arith.cmpi ne, %rem3A_115, %ne3A_116 : i32
      %lt3A = arith.constant 0 : i32
      %lt3A_118 = arith.cmpi slt, %rem3A_115, %lt3A : i32
      %lt3A_119 = arith.constant 0 : i32
      %lt3A_120 = arith.cmpi slt, %select_n3A_114, %lt3A_119 : i32
      %ne3A_121 = arith.xori %lt3A_118, %lt3A_120 : i1
      %and3A_122 = arith.andi %ne3A_121, %ne3A_117 : i1
      %add3A_123 = arith.addi %rem3A_115, %select_n3A_114 : i32
      %select_n3A_124 = arith.select %and3A_122, %add3A_123, %rem3A_115 : i32
      %mul3A_125 = arith.constant 16 : i32
      %mul3A_126 = arith.muli %select_n3A_124, %mul3A_125 : i32
      %get3A = arith.index_cast %select_n3A : i32 to index
      %get3A_127 = arith.index_cast %mul3A_126 : i32 to index
      %get3A_128 = tpu.vector_load %arg8[%get3A, %get3A_127] {strides = array<i32>} : memref<125x80xi32, #tpu.memory_space<vmem>>, vector<16xi32>,
      %sub3A_129 = vector.broadcast %mul3A_46 : i32 to vector<16xi32>
      %sub3A_130 = arith.subi %get3A_128, %sub3A_129 : vector<16xi32>
      %ge3A = arith.constant 0 : i32
      %ge3A_131 = vector.broadcast %ge3A : i32 to vector<16xi32>
      %ge3A_132 = arith.cmpi sge, %sub3A_130, %ge3A_131 : vector<16xi32>
      %lt3A_133 = arith.constant 5000 : i32
      %lt3A_134 = vector.broadcast %lt3A_133 : i32 to vector<16xi32>
      %lt3A_135 = arith.cmpi slt, %sub3A_130, %lt3A_134 : vector<16xi32>
      %and3A_136 = arith.andi %ge3A_132, %lt3A_135 : vector<16xi1>
      %jit3A_137 = arith.constant 5240 : i32
      %broadcast_in_dim3A_138 = vector.broadcast %jit3A_137 : i32 to vector<16xi32>
      %select_n3A_139 = arith.select %and3A_136, %sub3A_130, %broadcast_in_dim3A_138 : vector<16xi1>, vector<16xi32>
      %mul3A_140 = arith.constant 16 : i32
      %mul3A_141 = arith.muli %select_n3A_124, %mul3A_140 : i32
      %swap3A = arith.index_cast %select_n3A : i32 to index
      %swap3A_142 = arith.index_cast %mul3A_141 : i32 to index
      %swap3A_143 = tpu.vector_load %arg8[%swap3A, %swap3A_142] {strides = array<i32>} : memref<125x80xi32, #tpu.memory_space<vmem>>, vector<16xi32>,
      tpu.vector_store %arg8[%swap3A, %swap3A_142], %select_n3A_139 {strides = array<i32>} : memref<125x80xi32, #tpu.memory_space<vmem>>, vector<16xi32>,
      tpu.vector_store_idx %arg11[%select_n3A_139], %broadcast_in_dim3A_44 {add = true} : memref<5248xf32, #tpu.memory_space<vmem>>[vector<16xi32>], vector<16xf32>,
    }
    %scan3A_70 = arith.constant 625 : i32
    %dma_start3A_71 = arith.constant 0 : i32
    %dma_start3A_72 = arith.constant 0 : i32
    %dma_start3A_73 = tpu.memref_slice %arg7[%dma_start3A_71, %dma_start3A_72] : memref<125x80xi32, #tpu.memory_space<vmem>> -> memref<1x80xi32, #tpu.memory_space<vmem>>
    %dma_start3A_74 = tpu.memref_squeeze %dma_start3A_73 : memref<1x80xi32, #tpu.memory_space<vmem>> -> memref<80xi32, #tpu.memory_space<vmem>>
    %dma_start3A_75 = arith.constant 0 : i32
    %dma_start3A_76 = arith.constant 0 : i32
    %dma_start3A_77 = tpu.memref_slice %arg2[%dma_start3A_75, %dma_start3A_76] : memref<10000x128xf32, #tpu.memory_space<hbm>> -> memref<10000x128xf32, #tpu.memory_space<hbm>>
    tpu.enqueue_indirect_dma source(%dma_start3A_77 : memref<10000x128xf32, #tpu.memory_space<hbm>>) target(%arg9 : memref<80x128xf32, #tpu.memory_space<vmem>>) offsets(%dma_start3A_74 : memref<80xi32, #tpu.memory_space<vmem>>) semaphore(%arg14 : memref<!tpu.dma_semaphore, #tpu.memory_space<semaphore_mem>>)
    %scan3A_78 = arith.constant 0 : i32
    %scan3A_79 = arith.constant 62 : i32
    %scan3A_80 = arith.addi %scan3A_78, %scan3A_79 : i32
    %scan3A_81 = arith.constant 1 : i32
    scf.for %scan3A_90 = %scan3A_78 to %scan3A_80 step %scan3A_81  : i32 {
      %mul3A_91 = arith.constant 1 : i32
      %mul3A_92 = arith.muli %scan3A_90, %mul3A_91 : i32
      %add3A_93 = arith.constant 0 : i32
      %add3A_94 = arith.addi %add3A_93, %mul3A_92 : i32
      %mul3A_95 = arith.constant 2 : i32
      %mul3A_96 = arith.muli %mul3A_95, %add3A_94 : i32
      %add3A_97 = arith.constant 1 : i32
      %add3A_98 = arith.addi %mul3A_96, %add3A_97 : i32
      %dma_start3A_99 = arith.constant 0 : i32
      %dma_start3A_100 = tpu.memref_slice %arg7[%add3A_98, %dma_start3A_99] : memref<125x80xi32, #tpu.memory_space<vmem>> -> memref<1x80xi32, #tpu.memory_space<vmem>>
      %dma_start3A_101 = tpu.memref_squeeze %dma_start3A_100 : memref<1x80xi32, #tpu.memory_space<vmem>> -> memref<80xi32, #tpu.memory_space<vmem>>
      %dma_start3A_102 = arith.constant 0 : i32
      %dma_start3A_103 = arith.constant 0 : i32
      %dma_start3A_104 = tpu.memref_slice %arg2[%dma_start3A_102, %dma_start3A_103] : memref<10000x128xf32, #tpu.memory_space<hbm>> -> memref<10000x128xf32, #tpu.memory_space<hbm>>
      tpu.enqueue_indirect_dma source(%dma_start3A_104 : memref<10000x128xf32, #tpu.memory_space<hbm>>) target(%arg10 : memref<80x128xf32, #tpu.memory_space<vmem>>) offsets(%dma_start3A_101 : memref<80xi32, #tpu.memory_space<vmem>>) semaphore(%arg15 : memref<!tpu.dma_semaphore, #tpu.memory_space<semaphore_mem>>)
      %dma_wait3A = arith.constant 0 : i32
      %dma_wait3A_105 = arith.constant 0 : i32
      %dma_wait3A_106 = tpu.memref_slice %arg2[%dma_wait3A, %dma_wait3A_105] : memref<10000x128xf32, #tpu.memory_space<hbm>> -> memref<80x128xf32, #tpu.memory_space<hbm>>
      %dma_wait3A_107 = arith.constant 0 : i32
      %dma_wait3A_108 = arith.constant 0 : i32
      %dma_wait3A_109 = tpu.memref_slice %arg2[%dma_wait3A_107, %dma_wait3A_108] : memref<10000x128xf32, #tpu.memory_space<hbm>> -> memref<80x128xf32, #tpu.memory_space<hbm>>
      tpu.wait_dma2 semaphore(%arg14 : memref<!tpu.dma_semaphore, #tpu.memory_space<semaphore_mem>>) src(%dma_wait3A_109 : memref<80x128xf32, #tpu.memory_space<hbm>>) dst(%arg9 : memref<80x128xf32, #tpu.memory_space<vmem>>)
      "tpu.region"() ({
        %run_scoped3A_122 = tpu.sem_alloc : memref<!tpu.dma_semaphore, #tpu.memory_space<semaphore_mem>>
        %dma_start3A_123 = arith.constant 0 : i32
        %dma_start3A_124 = tpu.memref_slice %arg8[%mul3A_96, %dma_start3A_123] : memref<125x80xi32, #tpu.memory_space<vmem>> -> memref<1x80xi32, #tpu.memory_space<vmem>>
        %dma_start3A_125 = tpu.memref_squeeze %dma_start3A_124 : memref<1x80xi32, #tpu.memory_space<vmem>> -> memref<80xi32, #tpu.memory_space<vmem>>
        %dma_start3A_126 = arith.constant 0 : i32
        %dma_start3A_127 = arith.constant 0 : i32
        %dma_start3A_128 = tpu.memref_slice %arg13[%dma_start3A_126, %dma_start3A_127] : memref<5248x128xf32, #tpu.memory_space<vmem_shared>> -> memref<5248x128xf32, #tpu.memory_space<vmem_shared>>
        tpu.enqueue_indirect_dma source(%arg9 : memref<80x128xf32, #tpu.memory_space<vmem>>) target(%dma_start3A_128 : memref<5248x128xf32, #tpu.memory_space<vmem_shared>>) offsets(%dma_start3A_125 : memref<80xi32, #tpu.memory_space<vmem>>) semaphore(%run_scoped3A_122 : memref<!tpu.dma_semaphore, #tpu.memory_space<semaphore_mem>>) {add = true}
        %dma_wait3A_129 = arith.constant 0 : i32
        %dma_wait3A_130 = tpu.memref_slice %arg8[%mul3A_96, %dma_wait3A_129] : memref<125x80xi32, #tpu.memory_space<vmem>> -> memref<1x80xi32, #tpu.memory_space<vmem>>
        %dma_wait3A_131 = tpu.memref_squeeze %dma_wait3A_130 : memref<1x80xi32, #tpu.memory_space<vmem>> -> memref<80xi32, #tpu.memory_space<vmem>>
        %dma_wait3A_132 = arith.constant 0 : i32
        %dma_wait3A_133 = arith.constant 0 : i32
        %dma_wait3A_134 = tpu.memref_slice %arg13[%dma_wait3A_132, %dma_wait3A_133] : memref<5248x128xf32, #tpu.memory_space<vmem_shared>> -> memref<5248x128xf32, #tpu.memory_space<vmem_shared>>
        tpu.wait_indirect_dma semaphore(%run_scoped3A_122 : memref<!tpu.dma_semaphore, #tpu.memory_space<semaphore_mem>>) src(%arg9 : memref<80x128xf32, #tpu.memory_space<vmem>>) dst(%dma_wait3A_134 : memref<5248x128xf32, #tpu.memory_space<vmem_shared>>)
        tpu.yield
      }) : () -> ()
      %add3A_110 = arith.constant 2 : i32
      %add3A_111 = arith.addi %mul3A_96, %add3A_110 : i32
      %lt3A = arith.constant 125 : i32
      %lt3A_112 = arith.cmpi slt, %add3A_111, %lt3A : i32
      %convert_element_type3A = arith.extui %lt3A_112 : i1 to i32
      %cond3A = arith.constant 0 : i32
      %cond3A_113 = arith.cmpi ne, %convert_element_type3A, %cond3A : i32
      scf.if %cond3A_113 {
        %add3A_122 = arith.constant 2 : i32
        %add3A_123 = arith.addi %mul3A_96, %add3A_122 : i32
        %dma_start3A_124 = arith.constant 0 : i32
        %dma_start3A_125 = tpu.memref_slice %arg7[%add3A_123, %dma_start3A_124] : memref<125x80xi32, #tpu.memory_space<vmem>> -> memref<1x80xi32, #tpu.memory_space<vmem>>
        %dma_start3A_126 = tpu.memref_squeeze %dma_start3A_125 : memref<1x80xi32, #tpu.memory_space<vmem>> -> memref<80xi32, #tpu.memory_space<vmem>>
        %dma_start3A_127 = arith.constant 0 : i32
        %dma_start3A_128 = arith.constant 0 : i32
        %dma_start3A_129 = tpu.memref_slice %arg2[%dma_start3A_127, %dma_start3A_128] : memref<10000x128xf32, #tpu.memory_space<hbm>> -> memref<10000x128xf32, #tpu.memory_space<hbm>>
        tpu.enqueue_indirect_dma source(%dma_start3A_129 : memref<10000x128xf32, #tpu.memory_space<hbm>>) target(%arg9 : memref<80x128xf32, #tpu.memory_space<vmem>>) offsets(%dma_start3A_126 : memref<80xi32, #tpu.memory_space<vmem>>) semaphore(%arg14 : memref<!tpu.dma_semaphore, #tpu.memory_space<semaphore_mem>>)
      } else {
      }
      %dma_wait3A_114 = arith.constant 0 : i32
      %dma_wait3A_115 = arith.constant 0 : i32
      %dma_wait3A_116 = tpu.memref_slice %arg2[%dma_wait3A_114, %dma_wait3A_115] : memref<10000x128xf32, #tpu.memory_space<hbm>> -> memref<80x128xf32, #tpu.memory_space<hbm>>
      %dma_wait3A_117 = arith.constant 0 : i32
      %dma_wait3A_118 = arith.constant 0 : i32
      %dma_wait3A_119 = tpu.memref_slice %arg2[%dma_wait3A_117, %dma_wait3A_118] : memref<10000x128xf32, #tpu.memory_space<hbm>> -> memref<80x128xf32, #tpu.memory_space<hbm>>
      tpu.wait_dma2 semaphore(%arg15 : memref<!tpu.dma_semaphore, #tpu.memory_space<semaphore_mem>>) src(%dma_wait3A_119 : memref<80x128xf32, #tpu.memory_space<hbm>>) dst(%arg10 : memref<80x128xf32, #tpu.memory_space<vmem>>)
      %add3A_120 = arith.constant 1 : i32
      %add3A_121 = arith.addi %mul3A_96, %add3A_120 : i32
      "tpu.region"() ({
        %run_scoped3A_122 = tpu.sem_alloc : memref<!tpu.dma_semaphore, #tpu.memory_space<semaphore_mem>>
        %dma_start3A_123 = arith.constant 0 : i32
        %dma_start3A_124 = tpu.memref_slice %arg8[%add3A_121, %dma_start3A_123] : memref<125x80xi32, #tpu.memory_space<vmem>> -> memref<1x80xi32, #tpu.memory_space<vmem>>
        %dma_start3A_125 = tpu.memref_squeeze %dma_start3A_124 : memref<1x80xi32, #tpu.memory_space<vmem>> -> memref<80xi32, #tpu.memory_space<vmem>>
        %dma_start3A_126 = arith.constant 0 : i32
        %dma_start3A_127 = arith.constant 0 : i32
        %dma_start3A_128 = tpu.memref_slice %arg13[%dma_start3A_126, %dma_start3A_127] : memref<5248x128xf32, #tpu.memory_space<vmem_shared>> -> memref<5248x128xf32, #tpu.memory_space<vmem_shared>>
        tpu.enqueue_indirect_dma source(%arg10 : memref<80x128xf32, #tpu.memory_space<vmem>>) target(%dma_start3A_128 : memref<5248x128xf32, #tpu.memory_space<vmem_shared>>) offsets(%dma_start3A_125 : memref<80xi32, #tpu.memory_space<vmem>>) semaphore(%run_scoped3A_122 : memref<!tpu.dma_semaphore, #tpu.memory_space<semaphore_mem>>) {add = true}
        %dma_wait3A_129 = arith.constant 0 : i32
        %dma_wait3A_130 = tpu.memref_slice %arg8[%add3A_121, %dma_wait3A_129] : memref<125x80xi32, #tpu.memory_space<vmem>> -> memref<1x80xi32, #tpu.memory_space<vmem>>
        %dma_wait3A_131 = tpu.memref_squeeze %dma_wait3A_130 : memref<1x80xi32, #tpu.memory_space<vmem>> -> memref<80xi32, #tpu.memory_space<vmem>>
        %dma_wait3A_132 = arith.constant 0 : i32
        %dma_wait3A_133 = arith.constant 0 : i32
        %dma_wait3A_134 = tpu.memref_slice %arg13[%dma_wait3A_132, %dma_wait3A_133] : memref<5248x128xf32, #tpu.memory_space<vmem_shared>> -> memref<5248x128xf32, #tpu.memory_space<vmem_shared>>
        tpu.wait_indirect_dma semaphore(%run_scoped3A_122 : memref<!tpu.dma_semaphore, #tpu.memory_space<semaphore_mem>>) src(%arg10 : memref<80x128xf32, #tpu.memory_space<vmem>>) dst(%dma_wait3A_134 : memref<5248x128xf32, #tpu.memory_space<vmem_shared>>)
        tpu.yield
      }) : () -> ()
    }
    %scan3A_82 = arith.constant 62 : i32
    %barrier3A_83 = arith.constant 0 : index
    tpu.barrier barrier_id(%barrier3A_83)
    %mul3A_84 = arith.constant 328 : i32
    %mul3A_85 = arith.muli %arg1, %mul3A_84 : i32
    %mul3A_86 = arith.constant 328 : i32
    %mul3A_87 = arith.muli %arg1, %mul3A_86 : i32
    "tpu.region"() ({
      %run_scoped3A_90 = tpu.sem_alloc : memref<!tpu.dma_semaphore, #tpu.memory_space<semaphore_mem>>
      %dma_start3A_91 = arith.constant 0 : i32
      %dma_start3A_92 = tpu.memref_slice %arg5[%arg0, %mul3A_87, %dma_start3A_91] : memref<2x5248x128xf32, #tpu.memory_space<hbm>> -> memref<1x328x128xf32, #tpu.memory_space<hbm>>
      %dma_start3A_93 = tpu.memref_squeeze %dma_start3A_92 : memref<1x328x128xf32, #tpu.memory_space<hbm>> -> memref<328x128xf32, #tpu.memory_space<hbm>>
      %dma_start3A_94 = arith.constant 0 : i32
      %dma_start3A_95 = tpu.memref_slice %arg13[%mul3A_85, %dma_start3A_94] : memref<5248x128xf32, #tpu.memory_space<vmem_shared>> -> memref<328x128xf32, #tpu.memory_space<vmem_shared>>
      tpu.enqueue_dma source(%dma_start3A_95 : memref<328x128xf32, #tpu.memory_space<vmem_shared>>) target(%dma_start3A_93 : memref<328x128xf32, #tpu.memory_space<hbm>>) target_semaphore(%run_scoped3A_90 : memref<!tpu.dma_semaphore, #tpu.memory_space<semaphore_mem>>)
      %dma_wait3A = arith.constant 0 : i32
      %dma_wait3A_96 = tpu.memref_slice %arg5[%arg0, %mul3A_87, %dma_wait3A] : memref<2x5248x128xf32, #tpu.memory_space<hbm>> -> memref<1x328x128xf32, #tpu.memory_space<hbm>>
      %dma_wait3A_97 = tpu.memref_squeeze %dma_wait3A_96 : memref<1x328x128xf32, #tpu.memory_space<hbm>> -> memref<328x128xf32, #tpu.memory_space<hbm>>
      %dma_wait3A_98 = arith.constant 0 : i32
      %dma_wait3A_99 = tpu.memref_slice %arg13[%mul3A_85, %dma_wait3A_98] : memref<5248x128xf32, #tpu.memory_space<vmem_shared>> -> memref<328x128xf32, #tpu.memory_space<vmem_shared>>
      tpu.wait_dma2 semaphore(%run_scoped3A_90 : memref<!tpu.dma_semaphore, #tpu.memory_space<semaphore_mem>>) src(%dma_wait3A_99 : memref<328x128xf32, #tpu.memory_space<vmem_shared>>) dst(%dma_wait3A_97 : memref<328x128xf32, #tpu.memory_space<hbm>>)
      tpu.yield
    }) : () -> ()
    %mul3A_88 = arith.constant 5248 : i32
    %mul3A_89 = arith.muli %add3A, %mul3A_88 : i32
    "tpu.region"() ({
      %run_scoped3A_90 = tpu.sem_alloc : memref<!tpu.dma_semaphore, #tpu.memory_space<semaphore_mem>>
      %dma_start3A_91 = tpu.memref_slice %arg6[%mul3A_89] : memref<167936xf32, #tpu.memory_space<hbm>> -> memref<5248xf32, #tpu.memory_space<hbm>>
      %dma_start3A_92 = tpu.memref_slice %arg6[%mul3A_89] : memref<167936xf32, #tpu.memory_space<hbm>> -> memref<5248xf32, #tpu.memory_space<hbm>>
      tpu.enqueue_dma source(%arg11 : memref<5248xf32, #tpu.memory_space<vmem>>) target(%dma_start3A_92 : memref<5248xf32, #tpu.memory_space<hbm>>) target_semaphore(%run_scoped3A_90 : memref<!tpu.dma_semaphore, #tpu.memory_space<semaphore_mem>>)
      %dma_wait3A = tpu.memref_slice %arg6[%mul3A_89] : memref<167936xf32, #tpu.memory_space<hbm>> -> memref<5248xf32, #tpu.memory_space<hbm>>
      %dma_wait3A_93 = tpu.memref_slice %arg6[%mul3A_89] : memref<167936xf32, #tpu.memory_space<hbm>> -> memref<5248xf32, #tpu.memory_space<hbm>>
      tpu.wait_dma2 semaphore(%run_scoped3A_90 : memref<!tpu.dma_semaphore, #tpu.memory_space<semaphore_mem>>) src(%arg11 : memref<5248xf32, #tpu.memory_space<vmem>>) dst(%dma_wait3A_93 : memref<5248xf32, #tpu.memory_space<hbm>>)
      tpu.yield
    }) : () -> ()
    return
  }
}

module attributes {stable_mosaic.version = 14 : i64} {
  func.func @_tc_body(%arg0: i32, %arg1: memref<1000x128xf32, #tpu.memory_space<vmem>>, %arg2: memref<1x1000x128xf32, #tpu.memory_space<vmem>>, %arg3: memref<1x1000x16xf32, #tpu.memory_space<vmem>>, %arg4: memref<128x128xf32, #tpu.memory_space<vmem>>, %arg5: memref<1x128xf32, #tpu.memory_space<vmem>>, %arg6: memref<128x128xf32, #tpu.memory_space<vmem>>, %arg7: memref<128x128xf32, #tpu.memory_space<vmem>>, %arg8: memref<1x128xf32, #tpu.memory_space<vmem>>, %arg9: memref<128x64xf32, #tpu.memory_space<vmem>>, %arg10: memref<1x64xf32, #tpu.memory_space<vmem>>, %arg11: memref<1000x64xf32, #tpu.memory_space<vmem>>) attributes {dimension_semantics = [#tpu.dimension_semantics<arbitrary>], iteration_bounds = array<i64: 10>, scalar_prefetch = 0 : i64, scratch_operands = 0 : i64, tpu.core_type = #tpu.core_type<tc>, window_params = [{transform_indices = @transform_0, window_bounds = array<i64: 1000, 128>}, {transform_indices = @transform_1, window_bounds = array<i64: 1, 1000, 128>}, {transform_indices = @transform_2, window_bounds = array<i64: 1, 1000, 16>}, {pipeline_mode = #tpu.pipeline_mode<synchronous>, transform_indices = @transform_3, window_bounds = array<i64: 128, 128>}, {pipeline_mode = #tpu.pipeline_mode<synchronous>, transform_indices = @transform_4, window_bounds = array<i64: 1, 128>}, {pipeline_mode = #tpu.pipeline_mode<synchronous>, transform_indices = @transform_5, window_bounds = array<i64: 128, 128>}, {pipeline_mode = #tpu.pipeline_mode<synchronous>, transform_indices = @transform_6, window_bounds = array<i64: 128, 128>}, {pipeline_mode = #tpu.pipeline_mode<synchronous>, transform_indices = @transform_7, window_bounds = array<i64: 1, 128>}, {pipeline_mode = #tpu.pipeline_mode<synchronous>, transform_indices = @transform_8, window_bounds = array<i64: 128, 64>}, {pipeline_mode = #tpu.pipeline_mode<synchronous>, transform_indices = @transform_9, window_bounds = array<i64: 1, 64>}, {transform_indices = @transform_10, window_bounds = array<i64: 1000, 64>}]} {
    %get3A = arith.constant 0 : index
    %get3A_0 = arith.constant 0 : index
    %get3A_1 = arith.constant 0 : index
    %get3A_2 = vector.load %arg3[%get3A, %get3A_0, %get3A_1] : memref<1x1000x16xf32, #tpu.memory_space<vmem>>, vector<1x1000x16xf32>
    %get3A_3 = vector.shape_cast %get3A_2 : vector<1x1000x16xf32> to vector<1000x16xf32>
    %reduce_sum3A = arith.constant dense<0.000000e+00> : vector<1000xf32>
    %reduce_sum3A_4 = vector.multi_reduction <add>, %get3A_3, %reduce_sum3A [1] : vector<1000x16xf32> to vector<1000xf32>
    %get3A_5 = arith.constant 0 : index
    %get3A_6 = arith.constant 0 : index
    %get3A_7 = arith.constant 0 : index
    %get3A_8 = vector.load %arg2[%get3A_5, %get3A_6, %get3A_7] : memref<1x1000x128xf32, #tpu.memory_space<vmem>>, vector<1x1000x128xf32>
    %get3A_9 = vector.shape_cast %get3A_8 : vector<1x1000x128xf32> to vector<1000x128xf32>
    %max3A = arith.constant 1.000000e+00 : f32
    %max3A_10 = vector.broadcast %max3A : f32 to vector<1000xf32>
    %max3A_11 = arith.maximumf %reduce_sum3A_4, %max3A_10 : vector<1000xf32>
    %broadcast_in_dim3A = vector.shape_cast %max3A_11 : vector<1000xf32> to vector<1000x1xf32>
    %div3A = vector.broadcast %broadcast_in_dim3A : vector<1000x1xf32> to vector<1000x128xf32>
    %div3A_12 = arith.divf %get3A_9, %div3A : vector<1000x128xf32>
    %get3A_13 = arith.constant 0 : index
    %get3A_14 = arith.constant 0 : index
    %get3A_15 = vector.load %arg4[%get3A_13, %get3A_14] : memref<128x128xf32, #tpu.memory_space<vmem>>, vector<128x128xf32>
    %dot_general3A = arith.constant dense<0.000000e+00> : vector<1000x128xf32>
    %dot_general3A_16 = tpu.matmul %div3A_12, %get3A_15, %dot_general3A {dimension_numbers = #tpu.dot_dimension_numbers<[1], [0], [0], [1], [0, 0, 1, 1], [], []>, transpose_lhs_hint = false} : vector<1000x128xf32>, vector<128x128xf32>, vector<1000x128xf32> -> vector<1000x128xf32>
    %get3A_17 = arith.constant 0 : index
    %get3A_18 = arith.constant 0 : index
    %get3A_19 = vector.load %arg5[%get3A_17, %get3A_18] : memref<1x128xf32, #tpu.memory_space<vmem>>, vector<1x128xf32>
    %add3A = vector.broadcast %get3A_19 : vector<1x128xf32> to vector<1000x128xf32>
    %add3A_20 = arith.addf %dot_general3A_16, %add3A : vector<1000x128xf32>
    %get3A_21 = arith.constant 0 : index
    %get3A_22 = arith.constant 0 : index
    %get3A_23 = vector.load %arg1[%get3A_21, %get3A_22] : memref<1000x128xf32, #tpu.memory_space<vmem>>, vector<1000x128xf32>
    %get3A_24 = arith.constant 0 : index
    %get3A_25 = arith.constant 0 : index
    %get3A_26 = vector.load %arg6[%get3A_24, %get3A_25] : memref<128x128xf32, #tpu.memory_space<vmem>>, vector<128x128xf32>
    %dot_general3A_27 = arith.constant dense<0.000000e+00> : vector<1000x128xf32>
    %dot_general3A_28 = tpu.matmul %get3A_23, %get3A_26, %dot_general3A_27 {dimension_numbers = #tpu.dot_dimension_numbers<[1], [0], [0], [1], [0, 0, 1, 1], [], []>, transpose_lhs_hint = false} : vector<1000x128xf32>, vector<128x128xf32>, vector<1000x128xf32> -> vector<1000x128xf32>
    %add3A_29 = arith.addf %add3A_20, %dot_general3A_28 : vector<1000x128xf32>
    %max3A_30 = arith.constant 0.000000e+00 : f32
    %max3A_31 = vector.broadcast %max3A_30 : f32 to vector<1000x128xf32>
    %max3A_32 = arith.maximumf %add3A_29, %max3A_31 : vector<1000x128xf32>
    %get3A_33 = arith.constant 0 : index
    %get3A_34 = arith.constant 0 : index
    %get3A_35 = vector.load %arg7[%get3A_33, %get3A_34] : memref<128x128xf32, #tpu.memory_space<vmem>>, vector<128x128xf32>
    %dot_general3A_36 = arith.constant dense<0.000000e+00> : vector<1000x128xf32>
    %dot_general3A_37 = tpu.matmul %max3A_32, %get3A_35, %dot_general3A_36 {dimension_numbers = #tpu.dot_dimension_numbers<[1], [0], [0], [1], [0, 0, 1, 1], [], []>, transpose_lhs_hint = false} : vector<1000x128xf32>, vector<128x128xf32>, vector<1000x128xf32> -> vector<1000x128xf32>
    %get3A_38 = arith.constant 0 : index
    %get3A_39 = arith.constant 0 : index
    %get3A_40 = vector.load %arg8[%get3A_38, %get3A_39] : memref<1x128xf32, #tpu.memory_space<vmem>>, vector<1x128xf32>
    %add3A_41 = vector.broadcast %get3A_40 : vector<1x128xf32> to vector<1000x128xf32>
    %add3A_42 = arith.addf %dot_general3A_37, %add3A_41 : vector<1000x128xf32>
    %max3A_43 = arith.constant 0.000000e+00 : f32
    %max3A_44 = vector.broadcast %max3A_43 : f32 to vector<1000x128xf32>
    %max3A_45 = arith.maximumf %add3A_42, %max3A_44 : vector<1000x128xf32>
    %get3A_46 = arith.constant 0 : index
    %get3A_47 = arith.constant 0 : index
    %get3A_48 = vector.load %arg9[%get3A_46, %get3A_47] : memref<128x64xf32, #tpu.memory_space<vmem>>, vector<128x64xf32>
    %dot_general3A_49 = arith.constant dense<0.000000e+00> : vector<1000x64xf32>
    %dot_general3A_50 = tpu.matmul %max3A_45, %get3A_48, %dot_general3A_49 {dimension_numbers = #tpu.dot_dimension_numbers<[1], [0], [0], [1], [0, 0, 1, 1], [], []>, transpose_lhs_hint = false} : vector<1000x128xf32>, vector<128x64xf32>, vector<1000x64xf32> -> vector<1000x64xf32>
    %get3A_51 = arith.constant 0 : index
    %get3A_52 = arith.constant 0 : index
    %get3A_53 = vector.load %arg10[%get3A_51, %get3A_52] : memref<1x64xf32, #tpu.memory_space<vmem>>, vector<1x64xf32>
    %add3A_54 = vector.broadcast %get3A_53 : vector<1x64xf32> to vector<1000x64xf32>
    %add3A_55 = arith.addf %dot_general3A_50, %add3A_54 : vector<1000x64xf32>
    %reduce_max3A = arith.constant dense<0xFF800000> : vector<1000xf32>
    %reduce_max3A_56 = vector.multi_reduction <maximumf>, %add3A_55, %reduce_max3A [1] : vector<1000x64xf32> to vector<1000xf32>
    %broadcast_in_dim3A_57 = vector.shape_cast %reduce_max3A_56 : vector<1000xf32> to vector<1000x1xf32>
    %sub3A = vector.broadcast %broadcast_in_dim3A_57 : vector<1000x1xf32> to vector<1000x64xf32>
    %sub3A_58 = arith.subf %add3A_55, %sub3A : vector<1000x64xf32>
    %exp3A = math.exp %sub3A_58 : vector<1000x64xf32>
    %reduce_sum3A_59 = arith.constant dense<0.000000e+00> : vector<1000xf32>
    %reduce_sum3A_60 = vector.multi_reduction <add>, %exp3A, %reduce_sum3A_59 [1] : vector<1000x64xf32> to vector<1000xf32>
    %broadcast_in_dim3A_61 = vector.shape_cast %reduce_sum3A_60 : vector<1000xf32> to vector<1000x1xf32>
    %sub3A_62 = vector.broadcast %broadcast_in_dim3A_57 : vector<1000x1xf32> to vector<1000x64xf32>
    %sub3A_63 = arith.subf %add3A_55, %sub3A_62 : vector<1000x64xf32>
    %log3A = math.log %broadcast_in_dim3A_61 : vector<1000x1xf32>
    %sub3A_64 = vector.broadcast %log3A : vector<1000x1xf32> to vector<1000x64xf32>
    %sub3A_65 = arith.subf %sub3A_63, %sub3A_64 : vector<1000x64xf32>
    %swap3A = arith.constant 0 : index
    %swap3A_66 = arith.constant 0 : index
    %swap3A_67 = vector.load %arg11[%swap3A, %swap3A_66] : memref<1000x64xf32, #tpu.memory_space<vmem>>, vector<1000x64xf32>
    tpu.vector_store %arg11[%swap3A, %swap3A_66], %sub3A_65 {strides = array<i32>} : memref<1000x64xf32, #tpu.memory_space<vmem>>, vector<1000x64xf32>,
    return
  }
  func.func @transform_0(%arg0: i32) -> (i32, i32) {
    %c0_i32 = arith.constant 0 : i32
    %c0_i32_0 = arith.constant 0 : i32
    return %arg0, %c0_i32 : i32, i32
  }
  func.func @transform_1(%arg0: i32) -> (i32, i32, i32) {
    %jit3A = arith.constant 5 : i32
    %div3A = arith.divsi %arg0, %jit3A : i32
    %sign3A = arith.constant 0 : i32
    %sign3A_0 = arith.cmpi sgt, %arg0, %sign3A : i32
    %sign3A_1 = arith.extui %sign3A_0 : i1 to i32
    %sign3A_2 = arith.constant 0 : i32
    %sign3A_3 = arith.cmpi slt, %arg0, %sign3A_2 : i32
    %sign3A_4 = arith.extui %sign3A_3 : i1 to i32
    %sign3A_5 = arith.subi %sign3A_1, %sign3A_4 : i32
    %sign3A_6 = arith.constant 0 : i32
    %sign3A_7 = arith.cmpi sgt, %jit3A, %sign3A_6 : i32
    %sign3A_8 = arith.extui %sign3A_7 : i1 to i32
    %sign3A_9 = arith.constant 0 : i32
    %sign3A_10 = arith.cmpi slt, %jit3A, %sign3A_9 : i32
    %sign3A_11 = arith.extui %sign3A_10 : i1 to i32
    %sign3A_12 = arith.subi %sign3A_8, %sign3A_11 : i32
    %ne3A = arith.cmpi ne, %sign3A_5, %sign3A_12 : i32
    %rem3A = arith.remsi %arg0, %jit3A : i32
    %ne3A_13 = arith.constant 0 : i32
    %ne3A_14 = arith.cmpi ne, %rem3A, %ne3A_13 : i32
    %and3A = arith.andi %ne3A, %ne3A_14 : i1
    %sub3A = arith.constant 1 : i32
    %sub3A_15 = arith.subi %div3A, %sub3A : i32
    %select_n3A = arith.select %and3A, %sub3A_15, %div3A : i32
    %jit3A_16 = arith.constant 5 : i32
    %eq3A = arith.constant 0 : i32
    %eq3A_17 = arith.cmpi eq, %jit3A_16, %eq3A : i32
    %jit3A_18 = arith.constant 1 : i32
    %select_n3A_19 = arith.select %eq3A_17, %jit3A_18, %jit3A_16 : i32
    %rem3A_20 = arith.remsi %arg0, %select_n3A_19 : i32
    %ne3A_21 = arith.constant 0 : i32
    %ne3A_22 = arith.cmpi ne, %rem3A_20, %ne3A_21 : i32
    %lt3A = arith.constant 0 : i32
    %lt3A_23 = arith.cmpi slt, %rem3A_20, %lt3A : i32
    %lt3A_24 = arith.constant 0 : i32
    %lt3A_25 = arith.cmpi slt, %select_n3A_19, %lt3A_24 : i32
    %ne3A_26 = arith.xori %lt3A_23, %lt3A_25 : i1
    %and3A_27 = arith.andi %ne3A_26, %ne3A_22 : i1
    %add3A = arith.addi %rem3A_20, %select_n3A_19 : i32
    %select_n3A_28 = arith.select %and3A_27, %add3A, %rem3A_20 : i32
    %c0_i32 = arith.constant 0 : i32
    %c0_i32_29 = arith.constant 0 : i32
    return %select_n3A, %select_n3A_28, %c0_i32 : i32, i32, i32
  }
  func.func @transform_2(%arg0: i32) -> (i32, i32, i32) {
    %jit3A = arith.constant 5 : i32
    %div3A = arith.divsi %arg0, %jit3A : i32
    %sign3A = arith.constant 0 : i32
    %sign3A_0 = arith.cmpi sgt, %arg0, %sign3A : i32
    %sign3A_1 = arith.extui %sign3A_0 : i1 to i32
    %sign3A_2 = arith.constant 0 : i32
    %sign3A_3 = arith.cmpi slt, %arg0, %sign3A_2 : i32
    %sign3A_4 = arith.extui %sign3A_3 : i1 to i32
    %sign3A_5 = arith.subi %sign3A_1, %sign3A_4 : i32
    %sign3A_6 = arith.constant 0 : i32
    %sign3A_7 = arith.cmpi sgt, %jit3A, %sign3A_6 : i32
    %sign3A_8 = arith.extui %sign3A_7 : i1 to i32
    %sign3A_9 = arith.constant 0 : i32
    %sign3A_10 = arith.cmpi slt, %jit3A, %sign3A_9 : i32
    %sign3A_11 = arith.extui %sign3A_10 : i1 to i32
    %sign3A_12 = arith.subi %sign3A_8, %sign3A_11 : i32
    %ne3A = arith.cmpi ne, %sign3A_5, %sign3A_12 : i32
    %rem3A = arith.remsi %arg0, %jit3A : i32
    %ne3A_13 = arith.constant 0 : i32
    %ne3A_14 = arith.cmpi ne, %rem3A, %ne3A_13 : i32
    %and3A = arith.andi %ne3A, %ne3A_14 : i1
    %sub3A = arith.constant 1 : i32
    %sub3A_15 = arith.subi %div3A, %sub3A : i32
    %select_n3A = arith.select %and3A, %sub3A_15, %div3A : i32
    %jit3A_16 = arith.constant 5 : i32
    %eq3A = arith.constant 0 : i32
    %eq3A_17 = arith.cmpi eq, %jit3A_16, %eq3A : i32
    %jit3A_18 = arith.constant 1 : i32
    %select_n3A_19 = arith.select %eq3A_17, %jit3A_18, %jit3A_16 : i32
    %rem3A_20 = arith.remsi %arg0, %select_n3A_19 : i32
    %ne3A_21 = arith.constant 0 : i32
    %ne3A_22 = arith.cmpi ne, %rem3A_20, %ne3A_21 : i32
    %lt3A = arith.constant 0 : i32
    %lt3A_23 = arith.cmpi slt, %rem3A_20, %lt3A : i32
    %lt3A_24 = arith.constant 0 : i32
    %lt3A_25 = arith.cmpi slt, %select_n3A_19, %lt3A_24 : i32
    %ne3A_26 = arith.xori %lt3A_23, %lt3A_25 : i1
    %and3A_27 = arith.andi %ne3A_26, %ne3A_22 : i1
    %add3A = arith.addi %rem3A_20, %select_n3A_19 : i32
    %select_n3A_28 = arith.select %and3A_27, %add3A, %rem3A_20 : i32
    %c0_i32 = arith.constant 0 : i32
    %c0_i32_29 = arith.constant 0 : i32
    return %select_n3A, %select_n3A_28, %c0_i32 : i32, i32, i32
  }
  func.func @transform_3(%arg0: i32) -> (i32, i32) {
    %c0_i32 = arith.constant 0 : i32
    %c0_i32_0 = arith.constant 0 : i32
    %c0_i32_1 = arith.constant 0 : i32
    return %c0_i32, %c0_i32_0 : i32, i32
  }
  func.func @transform_4(%arg0: i32) -> (i32, i32) {
    %c0_i32 = arith.constant 0 : i32
    %c0_i32_0 = arith.constant 0 : i32
    %c0_i32_1 = arith.constant 0 : i32
    return %c0_i32, %c0_i32_0 : i32, i32
  }
  func.func @transform_5(%arg0: i32) -> (i32, i32) {
    %c0_i32 = arith.constant 0 : i32
    %c0_i32_0 = arith.constant 0 : i32
    %c0_i32_1 = arith.constant 0 : i32
    return %c0_i32, %c0_i32_0 : i32, i32
  }
  func.func @transform_6(%arg0: i32) -> (i32, i32) {
    %c0_i32 = arith.constant 0 : i32
    %c0_i32_0 = arith.constant 0 : i32
    %c0_i32_1 = arith.constant 0 : i32
    return %c0_i32, %c0_i32_0 : i32, i32
  }
  func.func @transform_7(%arg0: i32) -> (i32, i32) {
    %c0_i32 = arith.constant 0 : i32
    %c0_i32_0 = arith.constant 0 : i32
    %c0_i32_1 = arith.constant 0 : i32
    return %c0_i32, %c0_i32_0 : i32, i32
  }
  func.func @transform_8(%arg0: i32) -> (i32, i32) {
    %c0_i32 = arith.constant 0 : i32
    %c0_i32_0 = arith.constant 0 : i32
    %c0_i32_1 = arith.constant 0 : i32
    return %c0_i32, %c0_i32_0 : i32, i32
  }
  func.func @transform_9(%arg0: i32) -> (i32, i32) {
    %c0_i32 = arith.constant 0 : i32
    %c0_i32_0 = arith.constant 0 : i32
    %c0_i32_1 = arith.constant 0 : i32
    return %c0_i32, %c0_i32_0 : i32, i32
  }
  func.func @transform_10(%arg0: i32) -> (i32, i32) {
    %c0_i32 = arith.constant 0 : i32
    %c0_i32_0 = arith.constant 0 : i32
    return %arg0, %c0_i32 : i32, i32
  }
}

</mosaic_0001>

<sc_bundles>
// kernel: kernel.4.cloned.1.call-start
scs
__scs_entry_jumppad:
0x0: {  	(pc) =	sbr.rel $0x88, $3  }
0x1: {  	(tag) =	ssettag $0x0;
	lr =	simm.s32 $0x1  }
0x2: {  	[smem:$0x3F98] =	sst lr;
	_ =	strace $0xD0000000  }
0x3: {  	_ = 	snop  }
0x4: {  	_ = 	snop  }
0x5: {  	_ = 	snop  }
0x6: {  	_ = 	snop  }
0x7: {  	_ = 	snop  }
__scs_overlays_trampoline_lowered:
0x8: {  	[smem:$0x3FA7] =	sst s0  }
0x9: {  	[smem:$0x3FA8] =	sst s1  }
0xa: {  	[smem:$0x3FA9] =	sst s2  }
0xb: {  	[smem:$0x3FAA] =	sst s3  }
0xc: {  	[smem:$0x3FAB] =	sst s4  }
0xd: {  	[smem:$0x3FAC] =	sst s5  }
0xe: {  	[smem:$0x3FAD] =	sst s6  }
0xf: {  	[smem:$0x3FAE] =	sst s7  }
0x10: {  	[smem:$0x3FAF] =	sst s8  }
0x11: {  	[smem:$0x3FB0] =	sst s9;
	s0 =	simm.s32 @!p0 $0x0  }
0x12: {  	s1 =	sld [smem:$0x3F96];
	s0 =	simm.s32 @p0 $0x1  }
0x13: {  	[smem:$0x3FB1] =	sst s0;
	s0 =	simm.s32 @!p1 $0x0  }
0x14: {  	s2 =	sld [smem:$0x3F95];
	s0 =	simm.s32 @p1 $0x1  }
0x15: {  	[smem:$0x3FB2] =	sst s0;
	s0 =	simm.s32 @!p2 $0x0  }
0x16: {  	s3 =	sld [smem:$0x3FDB];
	s0 =	simm.s32 @p2 $0x1  }
0x17: {  	s4 =	simm.s32 $0x1BF5;
	[smem:$0x3FB4] =	sst s0  }
0x18: {  	s0 =	sld [smem:$0x3F97];
	_ =	swait.ge [sflag:s4], $0x0  }
0x19: {  	s7 =	sld [smem:$0x3F98]  }
0x1a: {  	s8 =	sadd.s32 $0xFFFFE003, lr  }
0x1b: {  	s9 =	sadd.s32 $0xFFFFFEF7, lr;
	s5 =	simm.s32 $0xFFFFFFFF;
	p2 =	slt.u32 s8, $0xFFFFF086  }
0x1c: {  	p1 =	slt.u32 s9, $0xF7A;
	s5 =	simm.s32 @!p2 $0x0  }
0x1d: {  	s5 =	simm.s32 @p1 $0x1;
	p0 =	seq.s32 s7, s2  }
0x1e: {  	s7 =	smul.u32 @!p0 $0xF7A, s2;
	p2 =	seq.s32 @!p0 s5, $0x0  }
0x1f: {  	s9 =	smul.u32 $0xF7A, s1;
	s8 =	simm.s32 @!p0 $0x1BF5;
	p2 =	por !p2, p0  }
0x20: {  	[sflag:s8] =	ssyncset.s32 @!p0 $0xFFFFF086;
	s6 =	sadd.s32 @!p0 s3, s7;
	s7 =	simm.s32 @!p0 $0x108  }
0x21: {  	s3 =	sadd.s32 s3, s9;
	s6 =	sadd.s32 @!p0 $0x88, s6;
	s7 =	simm.s32 @p2 $0x1082  }
0x22: {  	[simem:s7], [sflag:s8] =	dma.local @!p0 [hbm:s6], $0xF7A  }
0x23: {  	s9 =	sor.u32 $0xD0000000, s2;
	s6 =	simm.s32 $0x108;
	_ =	swait.ge @!p0 [sflag:s8], $0x0  }
0x24: {  	s3 =	sadd.s32 $0x88, s3;
	s6 =	simm.s32 @!p1 $0x1082;
	[sflag:s4] =	ssyncset.s32 $0xFFFFF086  }
0x25: {  	[simem:s6], [sflag:s4] =	dma.local [hbm:s3], $0xF7A  }
0x26: {  	[smem:$0x3F98] =	sst s1;
	(tag) =	ssettag s2;
	_ =	strace s9  }
0x27: {  	s1 =	sld [smem:$0x3FA8]  }
0x28: {  	s2 =	sld [smem:$0x3FA9]  }
0x29: {  	s4 =	sld [smem:$0x3FAB]  }
0x2a: {  	p0 =	seq.s32 s5, $0x0;
	s5 =	sld [smem:$0x3FAC]  }
0x2b: {  	s6 =	sld [smem:$0x3FAD]  }
0x2c: {  	s7 =	sld [smem:$0x3FAE]  }
0x2d: {  	s3 =	simm.s32 $0x108;
	s8 =	sld [smem:$0x3FAF]  }
0x2e: {  	s3 =	simm.s32 @!p0 $0x1082;
	s9 =	sld [smem:$0x3FB0]  }
0x2f: {  	lr =	sadd.s32 s0, s3;
	s0 =	sld [smem:$0x3FA7]  }
0x30: {  	s3 =	sld [smem:$0x3FAA]  }
0x31: {  	[smem:$0x3FB3] =	sst s10  }
0x32: {  	s10 =	sld [smem:$0x3FB1];
	_ =	sdelay $0x3  }
0x33: {  	p0 =	seq.s32 s10, $0x1;
	s10 =	sld [smem:$0x3FB3];
	_ =	sdelay $0x3  }
0x34: {  	[smem:$0x3FB3] =	sst s10  }
0x35: {  	s10 =	sld [smem:$0x3FB2];
	_ =	sdelay $0x3  }
0x36: {  	p1 =	seq.s32 s10, $0x1;
	s10 =	sld [smem:$0x3FB3];
	_ =	sdelay $0x3  }
0x37: {  	[smem:$0x3FB3] =	sst s10  }
0x38: {  	s10 =	sld [smem:$0x3FB4]  }
0x39: {  	_ = 	snop;
	(pc) =	sbr.ind lr, $3  }
0x3a: {  	_ = 	snop  }
0x3b: {  	_ = 	snop  }
0x3c: {  	p2 =	seq.s32 s10, $0x1;
	s10 =	sld [smem:$0x3FB3]  }
0x3d: {  	_ =	shalt  }
0x3e: {  	_ =	shalt  }
0x3f: {  	_ =	shalt  }
0x40: {  	_ =	shalt  }
0x41: {  	_ =	shalt  }
0x42: {  	_ =	shalt  }
0x43: {  	_ =	shalt  }
0x44: {  	_ =	shalt  }
0x45: {  	_ =	shalt  }
0x46: {  	_ =	shalt  }
0x47: {  	_ =	shalt  }
0x48: {  	_ =	shalt  }
0x49: {  	_ =	shalt  }
0x4a: {  	_ =	shalt  }
0x4b: {  	_ =	shalt  }
0x4c: {  	_ =	shalt  }
0x4d: {  	_ =	shalt  }
0x4e: {  	_ =	shalt  }
0x4f: {  	_ =	shalt  }
0x50: {  	_ =	shalt  }
0x51: {  	_ =	shalt  }
0x52: {  	_ =	shalt  }
0x53: {  	_ =	shalt  }
0x54: {  	_ =	shalt  }
0x55: {  	_ =	shalt  }
0x56: {  	_ =	shalt  }
0x57: {  	_ =	shalt  }
0x58: {  	_ =	shalt  }
0x59: {  	_ =	shalt  }
0x5a: {  	_ =	shalt  }
0x5b: {  	_ =	shalt  }
0x5c: {  	_ =	shalt  }
0x5d: {  	_ =	shalt  }
0x5e: {  	_ =	shalt  }
0x5f: {  	_ =	shalt  }
0x60: {  	_ =	shalt  }
0x61: {  	_ =	shalt  }
0x62: {  	_ =	shalt  }
0x63: {  	_ =	shalt  }
0x64: {  	_ =	shalt  }
0x65: {  	_ =	shalt  }
0x66: {  	_ =	shalt  }
0x67: {  	_ =	shalt  }
0x68: {  	_ =	shalt  }
0x69: {  	_ =	shalt  }
0x6a: {  	_ =	shalt  }
0x6b: {  	_ =	shalt  }
0x6c: {  	_ =	shalt  }
0x6d: {  	_ =	shalt  }
0x6e: {  	_ =	shalt  }
0x6f: {  	_ =	shalt  }
0x70: {  	_ =	shalt  }
0x71: {  	_ =	shalt  }
0x72: {  	_ =	shalt  }
0x73: {  	_ =	shalt  }
0x74: {  	_ =	shalt  }
0x75: {  	_ =	shalt  }
0x76: {  	_ =	shalt  }
0x77: {  	_ =	shalt  }
0x78: {  	_ =	shalt  }
0x79: {  	_ =	shalt  }
0x7a: {  	_ =	shalt  }
0x7b: {  	_ =	shalt  }
0x7c: {  	_ =	shalt  }
0x7d: {  	_ =	shalt  }
0x7e: {  	_ =	shalt  }
0x7f: {  	_ =	shalt  }
0x80: {  	_ =	shalt  }
0x81: {  	_ =	shalt  }
0x82: {  	_ =	shalt  }
0x83: {  	_ =	shalt  }
0x84: {  	_ =	shalt  }
0x85: {  	_ =	shalt  }
0x86: {  	_ =	shalt  }
0x87: {  	_ =	shalt  }
.Lfunc_end0:
.L_simem_size_0:
called_computation_lowered:
.L_overlay_start_0:
0x88: {  	s2 =	sld [smem:$0x3FD9]  }
0x89: {  	s3 =	sld [smem:$0x3FFE];
	_ =	sdelay $0x1  }
0x8a: {  	s1 =	srdreg.scid  }
0x8b: {  	s0 =	sand.u32 $0x1, s1  }
0x8c: {  	s17 =	sshll.u32 s0, $0xA;
	s2 =	sadd.s32 s3, s2  }
0x8d: {  	s2 =	sadd.s32 s2, s17  }
0x8e: {  	[smem:$0x3FBF] =	sst s2  }
0x8f: {  	_ = 	snop  }
0x90: {  	s2 =	sld [smem:$0x3FC9]  }
0x91: {  	s18 =	sld [smem:$0x3FD0];
	(tm) =	ssettm $0x1  }
0x92: {  	s4 =	sld [smem:$0x3FFB];
	_ =	sdelay $0x3  }
0x93: {  	_ =	strace s4  }
0x94: {  	s4 =	sld [smem:$0x3FFC];
	_ =	sdelay $0x3  }
0x95: {  	_ =	strace s4  }
0x96: {  	s4 =	sld [smem:$0x3FFD];
	_ =	sdelay $0x3  }
0x97: {  	_ =	strace s4  }
0x98: {  	_ =	strace $0x8FFFFFFF  }
0x99: {  	s19 =	sld [smem:$0x3FDB];
	_ =	sdelay $0x1  }
0x9a: {  	s5 =	simm.s32 $_scs_section_size  }
0x9b: {  	s6 =	simm.s32 $_size__tile_overlayer_lowered;
	s7 =	simm.s32 $_tile_overlayer_lowered  }
0x9c: {  	s22 =	simm.s32 $0x1BFF;
	s21 =	sshll.u32 s7, $0x1;
	s4 =	sadd.s32 s5, s19  }
0x9d: {  	s8 =	simm.s32 $0x0;
	s20 =	sshll.u32 s6, $0x1;
	s6 =	sadd.s32 s21, s4  }
0x9e: {  	[timem:s8], [sflag:s22] =	dma.local [hbm:s6], s20  }
0x9f: {  	_ =	swait.ge [sflag:s22], s20  }
0xa0: {  	s5 =	ssub.s32 $0x0, s20;
	[sflag:s22] =	ssyncset.done $0x0  }
0xa1: {  	[sflag:s22] =	ssyncadd.s32 s5;
	_ =	sdelay $0x1  }
0xa2: {  	s23 =	simm.s32 $0x1B8B  }
0xa3: {  	_ =	swait.ge [sflag:s23], $0x1  }
0xa4: {  	[sflag:s23] =	ssyncset.done $0x0  }
0xa5: {  	s25 =	simm.s32 $0x1B8E;
	s24 =	sld [smem:$0x3FFE];
	[sflag:s23] =	ssyncadd.s32 $0xFFFFFFFF  }
0xa6: {  	s26 =	simm.s32 $execute0_lowered;
	[smem:$0x3FD2] =	sst s25  }
0xa7: {  	s6 =	sshll.u32 s26, $0x1;
	_ =	strace $0x80000046;
	[dreg:$0x1] =	wrdreg $0xFFFFFFFF  }
0xa8: {  	s28 =	simm.s32 $_size_execute0_lowered;
	s4 =	sadd.s32 s4, s6;
	[dreg:$0x0] =	wrdreg $0x0  }
0xa9: {  	s6 =	sshll.u32 s28, $0x1;
	[dreg:$0x2] =	wrdreg s4  }
0xaa: {  	[dreg:$0x3] =	wrdreg s6  }
0xab: {  	[dreg:$0x4] =	wrdreg $0xC0  }
0xac: {  	_ =	task [dreg:s8], $0x5FFFF  }
0xad: {  	[dreg:$0x1] =	wrdreg $0xFFFFFFFF  }
0xae: {  	[dreg:$0x0] =	wrdreg $0x60  }
0xaf: {  	[dreg:$0x2] =	wrdreg s2  }
0xb0: {  	[dreg:$0x3] =	wrdreg s18  }
0xb1: {  	[dreg:$0x4] =	wrdreg s24  }
0xb2: {  	[dreg:$0x5] =	wrdreg $0xFC800  }
0xb3: {  	[dreg:$0x6] =	wrdreg $0x9  }
0xb4: {  	_ =	task.clear_ibuf [dreg:s8], $0x7FFFF;
	_ =	strace $0x90000046  }
0xb5: {  	s29 =	simm.s32 $0x9;
	_ =	strace $0x80000048  }
0xb6: {  	_ =	swait.ge [sflag:s29], $0x1  }
0xb7: {  	[sflag:s29] =	ssyncadd.s32 $0xFFFFFFFF  }
0xb8: {  	_ =	strace $0x90000048  }
0xb9: {  	_ =	sfence  }
0xba: {  	s30 =	sld [smem:$0x0];
	_ =	sdelay $0x2  }
0xbb: {  	s31 =	sshll.u32 s1, $0xD;
	s1 =	sshrl.u32 s1, $0x2  }
0xbc: {  	s3 =	sand.u32 $0x4000, s31;
	s1 =	sadd.s32 s1, s30  }
0xbd: {  	s0 =	sor.u32 s3, s0;
	s1 =	sshll.u32 s1, $0x11  }
0xbe: {  	s0 =	sor.u32 s1, s0  }
0xbf: {  	s0 =	sadd.s32 $0x8F2B, s0  }
0xc0: {  	[sflag:s0] =	ssyncadd.remote.s32 $0x1  }
0xc1: {  	_ =	sfence.sel $0xFFFF  }
0xc2: {  	[dreg:$0x0] =	wrdreg $0xFFFFFFFF;
	(pc) =	sbr.abs _section_cstart, $3  }
0xc3: {  	[dreg:$0x1] =	wrdreg $0xFFFFFFFF  }
0xc4: {  	_ =	task.clear_ibuf [dreg:s8], $0x2FFFF;
	_ =	strace $0x9FFFFFFF  }
0xc5: {  	(tm) =	ssettm $0x7FFFFFFF  }
tec
execute0_lowered:
.L_overlay_start_1:
0x0: {  	(tag) =	ssettag $0x1  }
0x1: {  	s1 =	rddreg [dreg:$0x0]  }
0x2: {  	s0 =	rddreg [dreg:$0x1]  }
0x3: {  	s3 =	rddreg [dreg:$0x2]  }
0x4: {  	s2 =	rddreg [dreg:$0x3];
	s4 =	srdreg.scid;
	s6 =	simm.s32 $0x0  }
0x5: {  	s13 =	stileid.u32;
	s20 =	simm.s32 $0xE480;
	s21 =	simm.s32 $0x3  }
0x6: {  	s22 =	simm.s32 $0x4000;
	s28 =	simm.s32 $0x1;
	s29 =	simm.s32 $0x2  }
0x7: {  	s30 =	simm.s32 $0x0;
	s4 =	sand.u32 $0x1, s4;
	s23 =	smul.u32 $0xA400, s13  }
0x8: {  	[smem:$0x7FF] =	sst s6;
	s16 =	sadd.s32 $0x1800, s3;
	s25 =	smul.u32 $0x29000, s13  }
0x9: {  	s7 =	sshll.u32 s13, $0x1;
	s15 =	sshll.u32 s13, $0xC;
	s5 =	smul.u32 $0xA4000, s4  }
0xa: {  	_ =	strace $0x80000047;
	s24 =	sor.u32 s4, s7;
	s8 =	ssub.s32 $0x2, s4  }
0xb: {  	s4 =	smul.u32 $0x1388, s4;
	s13 =	sadd.s32 s0, s15;
	s14 =	sadd.s32 s16, s15  }
0xc: {  	s18 =	sor.u32 $0x800, s15;
	s6 =	smul.u32 $0x290, s24;
	s26 =	sshrl.u32 s8, $0x1  }
0xd: {  	s7 =	sshrl.u32 s25, $0x2;
	s15 =	sadd.s32 s0, s18;
	s16 =	sadd.s32 s16, s18  }
0xe: {  	s24 =	simm.s32 $0x50;
	s25 =	simm.s32 $0x8000;
	s5 =	sadd.s32 s23, s5  }
0xf: {  	s19 =	ssub.s32 s8, s26;
	s23 =	simm.s32 $0xD000;
	s5 =	sshrl.u32 s5, $0x3  }
0x10: {  	s26 =	simm.s32 $0xA800;
	s17 =	sadd.s32 s5, s3;
	s5 =	sadd.s32 s7, s2  }
0x11: {  	s19 =	smax.u32 s19, $0x1;
	s3 =	sadd.s32 s6, s3;
	s31 =	sadd.s32 $0x1480, s5  }
0x12: {  	s7 =	sadd.s32 $0x2900, s5;
	s8 =	sadd.s32 $0x3D80, s5;
	s9 =	sadd.s32 $0x5200, s5  }
0x13: {  	s10 =	sadd.s32 $0x6680, s5;
	s11 =	sadd.s32 $0x7B00, s5;
	s12 =	sadd.s32 $0x8F80, s5  }
0x14: {  	v1 =	vimm.f32 $0.0e+00;
	v2 =	vimm.f32 $1.000000000e+00;
	v0 =	vmov s4;
	s17 =	sadd.s32 $0x16A00, s17;
	s18 =	sadd.s32 $0x11800, s3;
	[dreg:$0x5] =	wrdreg s31  }
.LBB2_1:
0x15: {  	s0 =	simm.s32 $0x0  }
.LBB2_2:
0x16: {  	p0 =	sne.s32 s0, $0x51C0  }
.Ltmp0:
0x17: {  	_ = 	snop;
	(pc) =	sbr.rel @p0 .LBB2_2-.Ltmp0, $3  }
0x18: {  	_ =	sdelay $0x1  }
0x19: {  	s3 =	sshra.s32 s0, $0x2  }
0x1a: {  	s0 =	sadd.s32 $0x40, s0;
	[tilespmem:s3+$0xD000] =	vst v1  }
0x1b: {  	s0 =	simm.s32 $0x0  }
0x1c: {  	s3 =	sand.u32 $0x7E00, s0  }
0x1d: {  	s31 =	sand.u32 $0x70, s0;
	s3 =	sshrl.u32 s3, $0x2  }
0x1e: {  	s4 =	simm.s32 $0x40;
	s3 =	sor.u32 s31, s3  }
.LBB2_4:
0x1f: {  	p0 =	sne.s32 s4, $0x51C0  }
0x20: {  	[tilespmem:s3+$0xE480] =	vst v1;
	s0 =	sadd.s32 $0x10, s0;
	s3 =	smov.u32 s4;
	s4 =	sadd.s32 $0x40, s4  }
.Ltmp1:
0x21: {  	(pc) =	sbr.rel @p0 .LBB2_4-.Ltmp1, $4  }
0x22: {  	_ = 	snop  }
0x23: {  	s3 =	sand.u32 $0x7E00, s3  }
0x24: {  	s31 =	sand.u32 $0x70, s0;
	s3 =	sshrl.u32 s3, $0x2  }
0x25: {  	s3 =	sor.u32 s31, s3  }
0x26: {  	[tilespmem:s3+$0xE480] =	vst v1  }
0x27: {  	[spmem:s5] =	stream.linear.scatter [tilespmem:s20], [sflag:$0x3], $0x1480, $0x38;
	[tilespmem:$0x1A080] =	vst v63  }
0x28: {  	_ =	swait.ge [sflag:s21], $0x1480  }
0x29: {  	[sflag:s21] =	ssyncset.done $0x0  }
0x2a: {  	s0 =	rddreg [dreg:$0x5];
	[sflag:s21] =	ssyncadd.s32 $0xFFFFEB80  }
0x2b: {  	[spmem:s0] =	stream.linear.scatter [tilespmem:s20], [sflag:$0x3], $0x1480, $0x38;
	[tilespmem:$0x1A080] =	vst v63  }
0x2c: {  	_ =	swait.ge [sflag:s21], $0x1480  }
0x2d: {  	[sflag:s21] =	ssyncset.done $0x0  }
0x2e: {  	[sflag:s21] =	ssyncadd.s32 $0xFFFFEB80  }
0x2f: {  	[spmem:s7] =	stream.linear.scatter [tilespmem:s20], [sflag:$0x3], $0x1480, $0x38;
	[tilespmem:$0x1A080] =	vst v63  }
0x30: {  	_ =	swait.ge [sflag:s21], $0x1480  }
0x31: {  	[sflag:s21] =	ssyncset.done $0x0  }
0x32: {  	[sflag:s21] =	ssyncadd.s32 $0xFFFFEB80  }
0x33: {  	[spmem:s8] =	stream.linear.scatter [tilespmem:s20], [sflag:$0x3], $0x1480, $0x38;
	[tilespmem:$0x1A080] =	vst v63  }
0x34: {  	_ =	swait.ge [sflag:s21], $0x1480  }
0x35: {  	[sflag:s21] =	ssyncset.done $0x0  }
0x36: {  	[sflag:s21] =	ssyncadd.s32 $0xFFFFEB80  }
0x37: {  	[spmem:s9] =	stream.linear.scatter [tilespmem:s20], [sflag:$0x3], $0x1480, $0x38;
	[tilespmem:$0x1A080] =	vst v63  }
0x38: {  	_ =	swait.ge [sflag:s21], $0x1480  }
0x39: {  	[sflag:s21] =	ssyncset.done $0x0  }
0x3a: {  	[sflag:s21] =	ssyncadd.s32 $0xFFFFEB80  }
0x3b: {  	[spmem:s10] =	stream.linear.scatter [tilespmem:s20], [sflag:$0x3], $0x1480, $0x38;
	[tilespmem:$0x1A080] =	vst v63  }
0x3c: {  	_ =	swait.ge [sflag:s21], $0x1480  }
0x3d: {  	[sflag:s21] =	ssyncset.done $0x0  }
0x3e: {  	[sflag:s21] =	ssyncadd.s32 $0xFFFFEB80  }
0x3f: {  	[spmem:s11] =	stream.linear.scatter [tilespmem:s20], [sflag:$0x3], $0x1480, $0x38;
	[tilespmem:$0x1A080] =	vst v63  }
0x40: {  	_ =	swait.ge [sflag:s21], $0x1480  }
0x41: {  	[sflag:s21] =	ssyncset.done $0x0  }
0x42: {  	[sflag:s21] =	ssyncadd.s32 $0xFFFFEB80  }
0x43: {  	[spmem:s12] =	stream.linear.scatter [tilespmem:s20], [sflag:$0x3], $0x1480, $0x38;
	[tilespmem:$0x1A080] =	vst v63  }
0x44: {  	s0 =	simm.s32 $0x0;
	_ =	swait.ge [sflag:s21], $0x1480  }
0x45: {  	s6 =	smul.u32 $0xCCCD, s0;
	[sflag:s21] =	ssyncset.done $0x0  }
0x46: {  	[sflag:s21] =	ssyncadd.s32 $0xFFFFEB80  }
0x47: {  	s3 =	sshrl.u32 s6, $0x12;
	[bflag:$0x0] =	sbarrier.arrive $0xFFFF  }
0x48: {  	[tilespmem:s0], [sflag:$0x3] =	stream.linear.gather [hbm4b:s13+s0], $0x3E80, $0x38;
	[tilespmem:$0x1A080] =	vst v63  }
0x49: {  	s4 =	smul.u32 $0x5, s3;
	_ =	swait.ge [sflag:s21], $0x3E80  }
0x4a: {  	[sflag:s21] =	ssyncset.done $0x0  }
0x4b: {  	s4 =	ssub.s32 $0x0, s4;
	[sflag:s21] =	ssyncadd.s32 $0xFFFFC180  }
0x4c: {  	[tilespmem:s22], [sflag:$0x3] =	stream.linear.gather [hbm4b:s14+s0], $0x3E80, $0x38;
	[tilespmem:$0x1A080] =	vst v63  }
0x4d: {  	s0 =	sand.u32 $0xFFFF, s4;
	_ =	swait.ge [sflag:s21], $0x3E80  }
0x4e: {  	s3 =	sshll.u32 s3, $0x7;
	s6 =	sshll.u32 s0, $0x4;
	[sflag:s21] =	ssyncset.done $0x0  }
0x4f: {  	s31 =	sor.u32 s6, s3;
	[sflag:s21] =	ssyncadd.s32 $0xFFFFC180  }
0x50: {  	v3 =	vld [tilespmem:s31+$0x4000];
	_ =	sdelay $0x2  }
0x51: {  	s0 =	simm.s32 $0x1  }
0x52: {  	s4 =	simm.s32 $0x2;
	s3 =	smul.u32 $0xCCCD, s0  }
.LBB2_6:
0x53: {  	p0 =	sne.s32 s4, $0x270;
	v3 =	vsub.s32 v3, v0  }
0x54: {  	s3 =	sshrl.u32 s3, $0x12;
	vm0 =	vlt.u32 v3, $0x1388  }
0x55: {  	s6 =	smul.u32 $0x5, s3;
	v3 =	vnsel vm0, $0x1478, v3;
	_ =	sdelay $0x1  }
0x56: {  	s6 =	ssub.s32 s0, s6;
	s0 =	smov.u32 s4  }
0x57: {  	s6 =	sand.u32 $0xFFFF, s6  }
0x58: {  	s3 =	sshll.u32 s3, $0x7;
	s6 =	sshll.u32 s6, $0x4;
	[tilespmem:s31+$0x4000] =	vst v3  }
0x59: {  	s31 =	sor.u32 s6, s3;
	[tilespmem:v3+s23+$0x0] =	vst.idx.add.f32.msk $0xffff, v2  }
.Ltmp2:
0x5a: {  	v3 =	vld [tilespmem:s31+$0x4000];
	(pc) =	sbr.rel @p0 .LBB2_6-.Ltmp2, $2  }
0x5b: {  	_ =	sdelay $0x2  }
0x5c: {  	s4 =	sadd.s32 $0x1, s4;
	s3 =	smul.u32 $0xCCCD, s0  }
0x5d: {  	v3 =	vsub.s32 v3, v0  }
0x5e: {  	s3 =	sshrl.u32 s3, $0x12;
	vm0 =	vlt.u32 v3, $0x1388  }
0x5f: {  	s4 =	smul.u32 $0x5, s3;
	v3 =	vnsel vm0, $0x1478, v3;
	_ =	sdelay $0x1  }
0x60: {  	s0 =	ssub.s32 s0, s4  }
0x61: {  	s0 =	sand.u32 $0xFFFF, s0  }
0x62: {  	s3 =	sshll.u32 s3, $0x7;
	[tilespmem:s31+$0x4000] =	vst v3;
	s0 =	sshll.u32 s0, $0x4  }
0x63: {  	s0 =	sor.u32 s0, s3;
	[tilespmem:v3+s23+$0x0] =	vst.idx.add.f32.msk $0xffff, v2  }
0x64: {  	v3 =	vld [tilespmem:s0+$0x4000];
	_ =	sdelay $0x4  }
0x65: {  	v3 =	vsub.s32 v3, v0  }
0x66: {  	vm15 =	vlt.u32 v3, $0x1388  }
0x67: {  	v3 =	vnsel vm15, $0x1478, v3;
	_ =	sdelay $0x3  }
0x68: {  	[tilespmem:s0+$0x4000] =	vst v3  }
0x69: {  	s4 =	simm.s32 $0x0;
	[tilespmem:v3+s23+$0x0] =	vst.idx.add.f32.msk $0xffff, v2  }
0x6a: {  	[tilespmem:s25], [sflag:$0x1] =	stream.indirect.gather [hbm4b:s1+s24], $0x80, s4, s24, $0xb8;
	[tilespmem:$0x1A080] =	vst v63  }
0x6b: {  	s6 =	simm.s32 $0x80  }
0x6c: {  	[tilespmem:s26], [sflag:$0x2] =	stream.indirect.gather [hbm4b:s1+s24], $0x80, s6, s24, $0xb8;
	[tilespmem:$0x1A080] =	vst v63  }
0x6d: {  	_ =	swait.ge [sflag:s28], $0x2800  }
0x6e: {  	[sflag:s28] =	ssyncset.done $0x0  }
0x6f: {  	s3 =	simm.s32 $0x4000;
	[sflag:s28] =	ssyncadd.s32 $0xFFFFD800  }
0x70: {  	[spmem:s2] =	stream.indirect.scatter.add.f32 [tilespmem:s25], [sflag:$0x3], $0x80, s3, s24, $0xb8;
	[tilespmem:$0x1A080] =	vst v63  }
0x71: {  	_ =	swait.ge [sflag:s21], $0x2800  }
0x72: {  	[sflag:s21] =	ssyncset.done $0x0  }
0x73: {  	s4 =	simm.s32 $0x100;
	[sflag:s21] =	ssyncadd.s32 $0xFFFFD800  }
0x74: {  	[tilespmem:s25], [sflag:$0x1] =	stream.indirect.gather [hbm4b:s1+s24], $0x80, s4, s24, $0xb8;
	[tilespmem:$0x1A080] =	vst v63  }
0x75: {  	_ =	swait.ge [sflag:s29], $0x2800  }
0x76: {  	[sflag:s29] =	ssyncset.done $0x0  }
0x77: {  	s6 =	simm.s32 $0x4080;
	[sflag:s29] =	ssyncadd.s32 $0xFFFFD800  }
0x78: {  	[spmem:s2] =	stream.indirect.scatter.add.f32 [tilespmem:s26], [sflag:$0x3], $0x80, s6, s24, $0xb8;
	[tilespmem:$0x1A080] =	vst v63  }
0x79: {  	_ =	swait.ge [sflag:s21], $0x2800  }
0x7a: {  	s31 =	simm.s32 $0x100;
	s0 =	simm.s32 $0x800;
	[sflag:s21] =	ssyncset.done $0x0  }
.LBB2_8:
0x7b: {  	s3 =	sadd.s32 $0x80, s31  }
0x7c: {  	[sflag:s21] =	ssyncadd.s32 $0xFFFFD800;
	s4 =	smov.u32 s0;
	s6 =	sadd.s32 $0x400, s0  }
0x7d: {  	[tilespmem:s26], [sflag:$0x2] =	stream.indirect.gather [hbm4b:s1+s24], $0x80, s3, s24, $0xb8;
	[tilespmem:$0x1A080] =	vst v63  }
0x7e: {  	p0 =	sne.s32 s0, $0xF400;
	_ =	swait.ge [sflag:s28], $0x2800  }
0x7f: {  	[sflag:s28] =	ssyncset.done $0x0  }
0x80: {  	s0 =	sadd.s32 $0x4000, s31;
	[sflag:s28] =	ssyncadd.s32 $0xFFFFD800  }
0x81: {  	[spmem:s2] =	stream.indirect.scatter.add.f32 [tilespmem:s25], [sflag:$0x3], $0x80, s0, s24, $0xb8;
	[tilespmem:$0x1A080] =	vst v63  }
0x82: {  	_ =	swait.ge [sflag:s21], $0x2800  }
0x83: {  	[sflag:s21] =	ssyncset.done $0x0  }
0x84: {  	s0 =	sadd.s32 $0x100, s31;
	[sflag:s21] =	ssyncadd.s32 $0xFFFFD800  }
0x85: {  	[tilespmem:s25], [sflag:$0x1] =	stream.indirect.gather [hbm4b:s1+s24], $0x80, s0, s24, $0xb8;
	[tilespmem:$0x1A080] =	vst v63  }
0x86: {  	_ =	swait.ge [sflag:s29], $0x2800  }
.Ltmp3:
0x87: {  	[sflag:s29] =	ssyncset.done $0x0;
	(pc) =	sbr.rel @p0 .LBB2_8-.Ltmp3, $4  }
0x88: {  	s0 =	sadd.s32 $0x4080, s31;
	[sflag:s29] =	ssyncadd.s32 $0xFFFFD800  }
0x89: {  	[spmem:s2] =	stream.indirect.scatter.add.f32 [tilespmem:s26], [sflag:$0x3], $0x80, s0, s24, $0xb8;
	[tilespmem:$0x1A080] =	vst v63  }
0x8a: {  	_ =	swait.ge [sflag:s21], $0x2800  }
0x8b: {  	s31 =	sshra.s32 s4, $0x2;
	s0 =	smov.u32 s6;
	[sflag:s21] =	ssyncset.done $0x0  }
0x8c: {  	s0 =	sadd.s32 $0x80, s31;
	[sflag:s21] =	ssyncadd.s32 $0xFFFFD800  }
0x8d: {  	[tilespmem:s26], [sflag:$0x2] =	stream.indirect.gather [hbm4b:s1+s24], $0x80, s0, s24, $0xb8;
	[tilespmem:$0x1A080] =	vst v63  }
0x8e: {  	_ =	swait.ge [sflag:s28], $0x2800  }
0x8f: {  	[sflag:s28] =	ssyncset.done $0x0  }
0x90: {  	s6 =	sadd.s32 $0x4000, s31;
	[sflag:s28] =	ssyncadd.s32 $0xFFFFD800  }
0x91: {  	[spmem:s2] =	stream.indirect.scatter.add.f32 [tilespmem:s25], [sflag:$0x3], $0x80, s6, s24, $0xb8;
	[tilespmem:$0x1A080] =	vst v63  }
0x92: {  	_ =	swait.ge [sflag:s21], $0x2800  }
0x93: {  	[sflag:s21] =	ssyncset.done $0x0  }
0x94: {  	s3 =	sadd.s32 $0x100, s31;
	[sflag:s21] =	ssyncadd.s32 $0xFFFFD800  }
0x95: {  	[tilespmem:s25], [sflag:$0x1] =	stream.indirect.gather [hbm4b:s1+s24], $0x80, s3, s24, $0xb8;
	[tilespmem:$0x1A080] =	vst v63  }
0x96: {  	_ =	swait.ge [sflag:s29], $0x2800  }
0x97: {  	[sflag:s29] =	ssyncset.done $0x0  }
0x98: {  	s4 =	sadd.s32 $0x4080, s31;
	s6 =	simm.s32 $0x0;
	[sflag:s29] =	ssyncadd.s32 $0xFFFFD800  }
0x99: {  	[spmem:s2] =	stream.indirect.scatter.add.f32 [tilespmem:s26], [sflag:$0x3], $0x80, s4, s24, $0xb8;
	[tilespmem:$0x1A080] =	vst v63  }
0x9a: {  	s3 =	smul.u32 $0xCCCD, s6;
	_ =	swait.ge [sflag:s21], $0x2800  }
0x9b: {  	[sflag:s21] =	ssyncset.done $0x0  }
0x9c: {  	s3 =	sshrl.u32 s3, $0x12;
	[sflag:s21] =	ssyncadd.s32 $0xFFFFD800  }
0x9d: {  	[tilespmem:s6], [sflag:$0x3] =	stream.linear.gather [hbm4b:s15+s6], $0x3E80, $0x38;
	[tilespmem:$0x1A080] =	vst v63  }
0x9e: {  	s4 =	smul.u32 $0x5, s3;
	_ =	swait.ge [sflag:s21], $0x3E80  }
0x9f: {  	[sflag:s21] =	ssyncset.done $0x0  }
0xa0: {  	s4 =	ssub.s32 $0x0, s4;
	[sflag:s21] =	ssyncadd.s32 $0xFFFFC180  }
0xa1: {  	[tilespmem:s22], [sflag:$0x3] =	stream.linear.gather [hbm4b:s16+s6], $0x3E80, $0x38;
	[tilespmem:$0x1A080] =	vst v63  }
0xa2: {  	s0 =	sand.u32 $0xFFFF, s4;
	_ =	swait.ge [sflag:s21], $0x3E80  }
0xa3: {  	s3 =	sshll.u32 s3, $0x7;
	s6 =	sshll.u32 s0, $0x4;
	[sflag:s21] =	ssyncset.done $0x0  }
0xa4: {  	s31 =	sor.u32 s6, s3;
	[sflag:s21] =	ssyncadd.s32 $0xFFFFC180  }
0xa5: {  	v3 =	vld [tilespmem:s31+$0x4000];
	_ =	sdelay $0x2  }
0xa6: {  	s0 =	simm.s32 $0x1  }
0xa7: {  	s4 =	simm.s32 $0x2;
	s3 =	smul.u32 $0xCCCD, s0  }
.LBB2_10:
0xa8: {  	p0 =	sne.s32 s4, $0x270;
	v3 =	vsub.s32 v3, v0  }
0xa9: {  	s3 =	sshrl.u32 s3, $0x12;
	vm0 =	vlt.u32 v3, $0x1388  }
0xaa: {  	s6 =	smul.u32 $0x5, s3;
	v3 =	vnsel vm0, $0x1478, v3;
	_ =	sdelay $0x1  }
0xab: {  	s6 =	ssub.s32 s0, s6;
	s0 =	smov.u32 s4  }
0xac: {  	s6 =	sand.u32 $0xFFFF, s6  }
0xad: {  	s3 =	sshll.u32 s3, $0x7;
	s6 =	sshll.u32 s6, $0x4;
	[tilespmem:s31+$0x4000] =	vst v3  }
0xae: {  	s31 =	sor.u32 s6, s3;
	[tilespmem:v3+s23+$0x0] =	vst.idx.add.f32.msk $0xffff, v2  }
.Ltmp4:
0xaf: {  	v3 =	vld [tilespmem:s31+$0x4000];
	(pc) =	sbr.rel @p0 .LBB2_10-.Ltmp4, $2  }
0xb0: {  	_ =	sdelay $0x2  }
0xb1: {  	s4 =	sadd.s32 $0x1, s4;
	s3 =	smul.u32 $0xCCCD, s0  }
0xb2: {  	v3 =	vsub.s32 v3, v0  }
0xb3: {  	s3 =	sshrl.u32 s3, $0x12;
	vm0 =	vlt.u32 v3, $0x1388  }
0xb4: {  	s4 =	smul.u32 $0x5, s3;
	v3 =	vnsel vm0, $0x1478, v3;
	_ =	sdelay $0x1  }
0xb5: {  	s0 =	ssub.s32 s0, s4  }
0xb6: {  	s0 =	sand.u32 $0xFFFF, s0  }
0xb7: {  	s3 =	sshll.u32 s3, $0x7;
	[tilespmem:s31+$0x4000] =	vst v3;
	s0 =	sshll.u32 s0, $0x4  }
0xb8: {  	s0 =	sor.u32 s0, s3;
	[tilespmem:v3+s23+$0x0] =	vst.idx.add.f32.msk $0xffff, v2  }
0xb9: {  	v3 =	vld [tilespmem:s0+$0x4000];
	_ =	sdelay $0x4  }
0xba: {  	v3 =	vsub.s32 v3, v0  }
0xbb: {  	vm15 =	vlt.u32 v3, $0x1388  }
0xbc: {  	v3 =	vnsel vm15, $0x1478, v3;
	_ =	sdelay $0x3  }
0xbd: {  	[tilespmem:s0+$0x4000] =	vst v3  }
0xbe: {  	s4 =	simm.s32 $0x0;
	[tilespmem:v3+s23+$0x0] =	vst.idx.add.f32.msk $0xffff, v2  }
0xbf: {  	[tilespmem:s25], [sflag:$0x1] =	stream.indirect.gather [hbm4b:s1+s24], $0x80, s4, s24, $0xb8;
	[tilespmem:$0x1A080] =	vst v63  }
0xc0: {  	s6 =	simm.s32 $0x80  }
0xc1: {  	[tilespmem:s26], [sflag:$0x2] =	stream.indirect.gather [hbm4b:s1+s24], $0x80, s6, s24, $0xb8;
	[tilespmem:$0x1A080] =	vst v63  }
0xc2: {  	_ =	swait.ge [sflag:s28], $0x2800  }
0xc3: {  	[sflag:s28] =	ssyncset.done $0x0  }
0xc4: {  	s3 =	simm.s32 $0x4000;
	[sflag:s28] =	ssyncadd.s32 $0xFFFFD800  }
0xc5: {  	[spmem:s2] =	stream.indirect.scatter.add.f32 [tilespmem:s25], [sflag:$0x3], $0x80, s3, s24, $0xb8;
	[tilespmem:$0x1A080] =	vst v63  }
0xc6: {  	_ =	swait.ge [sflag:s21], $0x2800  }
0xc7: {  	[sflag:s21] =	ssyncset.done $0x0  }
0xc8: {  	s4 =	simm.s32 $0x100;
	[sflag:s21] =	ssyncadd.s32 $0xFFFFD800  }
0xc9: {  	[tilespmem:s25], [sflag:$0x1] =	stream.indirect.gather [hbm4b:s1+s24], $0x80, s4, s24, $0xb8;
	[tilespmem:$0x1A080] =	vst v63  }
0xca: {  	_ =	swait.ge [sflag:s29], $0x2800  }
0xcb: {  	[sflag:s29] =	ssyncset.done $0x0  }
0xcc: {  	s6 =	simm.s32 $0x4080;
	[sflag:s29] =	ssyncadd.s32 $0xFFFFD800  }
0xcd: {  	[spmem:s2] =	stream.indirect.scatter.add.f32 [tilespmem:s26], [sflag:$0x3], $0x80, s6, s24, $0xb8;
	[tilespmem:$0x1A080] =	vst v63  }
0xce: {  	_ =	swait.ge [sflag:s21], $0x2800  }
0xcf: {  	s31 =	simm.s32 $0x100;
	s0 =	simm.s32 $0x800;
	[sflag:s21] =	ssyncset.done $0x0  }
.LBB2_12:
0xd0: {  	s3 =	sadd.s32 $0x80, s31  }
0xd1: {  	[sflag:s21] =	ssyncadd.s32 $0xFFFFD800;
	s4 =	smov.u32 s0;
	s6 =	sadd.s32 $0x400, s0  }
0xd2: {  	[tilespmem:s26], [sflag:$0x2] =	stream.indirect.gather [hbm4b:s1+s24], $0x80, s3, s24, $0xb8;
	[tilespmem:$0x1A080] =	vst v63  }
0xd3: {  	p0 =	sne.s32 s0, $0xF400;
	_ =	swait.ge [sflag:s28], $0x2800  }
0xd4: {  	[sflag:s28] =	ssyncset.done $0x0  }
0xd5: {  	s0 =	sadd.s32 $0x4000, s31;
	[sflag:s28] =	ssyncadd.s32 $0xFFFFD800  }
0xd6: {  	[spmem:s2] =	stream.indirect.scatter.add.f32 [tilespmem:s25], [sflag:$0x3], $0x80, s0, s24, $0xb8;
	[tilespmem:$0x1A080] =	vst v63  }
0xd7: {  	_ =	swait.ge [sflag:s21], $0x2800  }
0xd8: {  	[sflag:s21] =	ssyncset.done $0x0  }
0xd9: {  	s0 =	sadd.s32 $0x100, s31;
	[sflag:s21] =	ssyncadd.s32 $0xFFFFD800  }
0xda: {  	[tilespmem:s25], [sflag:$0x1] =	stream.indirect.gather [hbm4b:s1+s24], $0x80, s0, s24, $0xb8;
	[tilespmem:$0x1A080] =	vst v63  }
0xdb: {  	_ =	swait.ge [sflag:s29], $0x2800  }
.Ltmp5:
0xdc: {  	[sflag:s29] =	ssyncset.done $0x0;
	(pc) =	sbr.rel @p0 .LBB2_12-.Ltmp5, $4  }
0xdd: {  	s0 =	sadd.s32 $0x4080, s31;
	[sflag:s29] =	ssyncadd.s32 $0xFFFFD800  }
0xde: {  	[spmem:s2] =	stream.indirect.scatter.add.f32 [tilespmem:s26], [sflag:$0x3], $0x80, s0, s24, $0xb8;
	[tilespmem:$0x1A080] =	vst v63  }
0xdf: {  	_ =	swait.ge [sflag:s21], $0x2800  }
0xe0: {  	s31 =	sshra.s32 s4, $0x2;
	s0 =	smov.u32 s6;
	[sflag:s21] =	ssyncset.done $0x0  }
0xe1: {  	s0 =	sadd.s32 $0x80, s31;
	[sflag:s21] =	ssyncadd.s32 $0xFFFFD800  }
0xe2: {  	[tilespmem:s26], [sflag:$0x2] =	stream.indirect.gather [hbm4b:s1+s24], $0x80, s0, s24, $0xb8;
	[tilespmem:$0x1A080] =	vst v63  }
0xe3: {  	_ =	swait.ge [sflag:s28], $0x2800  }
0xe4: {  	[sflag:s28] =	ssyncset.done $0x0  }
0xe5: {  	s6 =	sadd.s32 $0x4000, s31;
	[sflag:s28] =	ssyncadd.s32 $0xFFFFD800  }
0xe6: {  	[spmem:s2] =	stream.indirect.scatter.add.f32 [tilespmem:s25], [sflag:$0x3], $0x80, s6, s24, $0xb8;
	[tilespmem:$0x1A080] =	vst v63  }
0xe7: {  	_ =	swait.ge [sflag:s21], $0x2800  }
0xe8: {  	[sflag:s21] =	ssyncset.done $0x0  }
0xe9: {  	s3 =	sadd.s32 $0x100, s31;
	[sflag:s21] =	ssyncadd.s32 $0xFFFFD800  }
0xea: {  	[tilespmem:s25], [sflag:$0x1] =	stream.indirect.gather [hbm4b:s1+s24], $0x80, s3, s24, $0xb8;
	[tilespmem:$0x1A080] =	vst v63  }
0xeb: {  	_ =	swait.ge [sflag:s29], $0x2800  }
0xec: {  	[sflag:s29] =	ssyncset.done $0x0  }
0xed: {  	s4 =	sadd.s32 $0x4080, s31;
	[sflag:s29] =	ssyncadd.s32 $0xFFFFD800  }
0xee: {  	[spmem:s2] =	stream.indirect.scatter.add.f32 [tilespmem:s26], [sflag:$0x3], $0x80, s4, s24, $0xb8;
	[tilespmem:$0x1A080] =	vst v63  }
0xef: {  	_ =	swait.ge [sflag:s21], $0x2800  }
0xf0: {  	s6 =	stileid.u32;
	[sflag:s21] =	ssyncset.done $0x0  }
0xf1: {  	s0 =	sshll.u32 s6, $0x6;
	[sflag:s21] =	ssyncadd.s32 $0xFFFFD800  }
0xf2: {  	s0 =	sor.u32 $0x1C03, s0;
	s3 =	sshrl.u32 s5, $0x3;
	[bflag:$0x0] =	sbarrier.arrive $0xFFFF  }
0xf3: {  	[hbm:s17], [sflag:s0] =	dma.local [spmem:s3], $0x1480  }
0xf4: {  	s30 =	sadd.s32 $0x1, s30;
	_ =	swait.ge [sflag:s21], $0x1480  }
0xf5: {  	p0 =	sne.s32 s30, s19;
	[sflag:s21] =	ssyncset.done $0x0  }
.Ltmp6:
0xf6: {  	s31 =	simm.s32 $0x0;
	[sflag:s21] =	ssyncadd.s32 $0xFFFFEB80;
	(pc) =	sbr.rel @p0 .LBB2_1-.Ltmp6, $4  }
0xf7: {  	[hbm4b:s18+s31] =	stream.linear.scatter [tilespmem:s23], [sflag:$0x3], $0x1480, $0x38;
	[tilespmem:$0x1A080] =	vst v63  }
0xf8: {  	_ =	swait.ge [sflag:s21], $0x1480  }
0xf9: {  	[sflag:s21] =	ssyncset.done $0x0  }
0xfa: {  	[sflag:s21] =	ssyncadd.s32 $0xFFFFEB80  }
0xfb: {  	_ =	sfence.sel $0x180000  }
0xfc: {  	[bflag:$0x0] =	sbarrier.arrive $0xFFFF  }
0xfd: {  	_ =	strace $0x90000047  }
0xfe: {  	s0 =	stileid.u32;
	[bflag:$0x2] =	sbarrier.arrive $0xFFFF  }
0xff: {  	p0 =	sne.s32 s0, $0x0;
	s0 =	rddreg [dreg:$0x4]  }
0x100: {  	s0 =	sadd.s32 @!p0 $0x100000, s0  }
0x101: {  	[sflag:s0] =	ssyncadd.tile.s32 @!p0 $0x1;
	_ =	shalt  }
.Lfunc_end2:
_tile_overlayer_lowered:
.L_overlay_start_2:
0x102: {  	(tag) =	ssettag $0x2  }
0x103: {  	s0 =	rddreg [dreg:$0x0];
	s2 =	stileid.u32  }
0x104: {  	s1 =	rddreg [dreg:$0x1];
	p0 =	sne.s32 s2, $0x0  }
0x105: {  	s3 =	rddreg [dreg:$0x2];
	[bflag:$0x3] =	sbarrier.arrive $0xFFFF;
	s2 =	simm.s32 @!p0 $0x1C03  }
0x106: {  	[timem:s3], [sflag:s2] =	dma.local @!p0 [hbm:s0], s1  }
0x107: {  	s0 =	simm.s32 @!p0 $0x3  }
0x108: {  	_ =	swait.ge @!p0 [sflag:s0], s1  }
0x109: {  	s1 =	ssub.s32 @!p0 $0x0, s1;
	[sflag:s0] =	ssyncset.done @!p0 $0x0  }
0x10a: {  	[sflag:s0] =	ssyncadd.s32 @!p0 s1  }
0x10b: {  	[bflag:$0x3] =	sbarrier.arrive $0xFFFF  }
0x10c: {  	_ =	shalt  }

</sc_bundles>
